<compile_context>
chip_gen: v7x
topology: tpu7x:2x2x1
jax: 0.10.2.dev20260603
libtpu: 0.0.44.dev20260713+nightly
codegen_flags: <defaults>
</compile_context>

<pallas_src>
import functools

import jax
import jax.numpy as jnp
import numpy as np
from jax import lax
from jax.experimental import pallas as pl
from jax.experimental.pallas import tpu as pltpu
from jax.experimental.pallas import tpu_sc as plsc

VOCAB = 64
N_LANGS = 16
DIM = 128
KDIM = 2 * DIM
LANES = 16
NW = 8
RPW = DIM // NW
NCHUNK = DIM // LANES

_DNUMS = lax.GatherDimensionNumbers(
    offset_dims=(), collapsed_slice_dims=(0,), start_index_map=(0,))


def _perm(v, idxvec):
    return lax.gather(v, idxvec.reshape(LANES, 1), _DNUMS, (1,),
                      mode=lax.GatherScatterMode.PROMISE_IN_BOUNDS)


def _embed_fc_body(aux_hbm, char_hbm, lang_hbm, w_hbm, b_hbm,
                   out_hbm, aux_v, char_v, lang_v, w_v, b_v, out_v, sem):
    wid = lax.axis_index("s")

    @pl.when(wid < NW)
    def _work():
        base = wid * RPW

        cp_a = pltpu.async_copy(aux_hbm, aux_v, sem)
        cp_c = pltpu.async_copy(char_hbm, char_v, sem)
        cp_l = pltpu.async_copy(lang_hbm, lang_v, sem)
        cp_w = pltpu.async_copy(w_hbm.at[pl.ds(base, RPW), :], w_v, sem)
        cp_b = pltpu.async_copy(b_hbm.at[pl.ds(base, RPW)], b_v, sem)
        cp_a.wait()
        cp_c.wait()
        cp_l.wait()
        cp_w.wait()
        cp_b.wait()

        cvec = aux_v[pl.ds(0, LANES)]
        lvec = aux_v[pl.ds(LANES, LANES)]
        lane_off = aux_v[pl.ds(2 * LANES, LANES)]
        lane = lax.shift_right_logical(lane_off, 8)

        xoff_c = (cvec << 7) + lane
        xoff_l = (lvec << 7) + lane

        accs = [jnp.zeros((LANES,), jnp.float32) for _ in range(RPW)]
        for phase, (src, xoff) in enumerate(((char_v, xoff_c),
                                             (lang_v, xoff_l))):
            for c2 in range(NCHUNK):
                xv = plsc.load_gather(src, [xoff + c2 * LANES])
                col = phase * DIM + c2 * LANES
                for r in range(RPW):
                    accs[r] = accs[r] + xv * w_v[r, pl.ds(col, LANES)]

        vecs = accs
        for m in (1, 2, 4, 8):
            pidx = lane ^ m
            sel = (lane & m) == 0
            nxt = []
            for j in range(0, len(vecs), 2):
                a = vecs[j] + _perm(vecs[j], pidx)
                bb = vecs[j + 1] + _perm(vecs[j + 1], pidx)
                nxt.append(jnp.where(sel, a, bb))
            vecs = nxt
        out_v[...] = vecs[0] + b_v[...]

        pltpu.sync_copy(out_v, out_hbm.at[pl.ds(base, RPW)])


_embed_fc = functools.partial(
    pl.kernel,
    out_type=jax.ShapeDtypeStruct((DIM,), jnp.float32),
    mesh=plsc.VectorSubcoreMesh(core_axis_name="c", subcore_axis_name="s",
                                num_cores=1, num_subcores=NW),
    compiler_params=pltpu.CompilerParams(needs_layout_passes=False),
    scratch_types=[
        pltpu.VMEM((3 * LANES,), jnp.int32),
        pltpu.VMEM((VOCAB * DIM,), jnp.float32),
        pltpu.VMEM((N_LANGS * DIM,), jnp.float32),
        pltpu.VMEM((RPW, KDIM), jnp.float32),
        pltpu.VMEM((RPW,), jnp.float32),
        pltpu.VMEM((RPW,), jnp.float32),
        pltpu.SemaphoreType.DMA,
    ],
)(_embed_fc_body)

_LANE_OFF = np.arange(LANES, dtype=np.int32) * KDIM


def kernel(char_idx, lang, char_table, lang_table, W, b):
    ci = jnp.asarray(char_idx, jnp.int32)
    li = jnp.asarray(lang, jnp.int32)
    aux = jnp.concatenate([jnp.full((LANES,), ci, jnp.int32),
                           jnp.full((LANES,), li, jnp.int32),
                           jnp.asarray(_LANE_OFF)])
    out = _embed_fc(aux, char_table.reshape(-1), lang_table.reshape(-1),
                    W, b)
    return out.reshape(1, DIM)

# --- scband reference (transcript-rebuilt; emitter-appended) ---
"""Pipeline reference for scband-embedding-26336739459414 (READ-ONLY COPY).

The authoritative reference and input builder live on the scoring server;
editing this copy changes nothing except your own understanding.
"""

import jax, jax.numpy as jnp
import numpy as np

VOCAB = 64       # len(C2I)
N_LANGS = 16     # len(langs) + 1 for 'sep'
DIM = 128        # embedding_dim

def setup_inputs(seed: int = 0) -> dict:
    key = jax.random.key(seed)
    k1, k2, k3 = jax.random.split(key, 3)
    char_table = jax.random.normal(k1, (VOCAB, DIM), dtype=jnp.float32)
    lang_table = jax.random.normal(k2, (N_LANGS, DIM), dtype=jnp.float32)
    # nn.Linear(2*DIM, DIM): weight [DIM, 2*DIM], bias [DIM]
    bound = 1.0 / np.sqrt(2 * DIM)
    W = jax.random.uniform(k3, (DIM, 2 * DIM), dtype=jnp.float32, minval=-bound, maxval=bound)
    b = jnp.zeros((DIM,), dtype=jnp.float32)
    return {"char_idx": 37, "lang": 5, "char_table": char_table, "lang_table": lang_table, "W": W, "b": b}

def reference(char_idx, lang, char_table, lang_table, W, b):
    # torch: char_encoded = self.char_embedding(torch.tensor([char_idx]))  -> [1, DIM]
    char_encoded = jnp.take(char_table, jnp.array([char_idx], dtype=jnp.int32), axis=0)
    # torch: lang_encoded = self.lang_embeddings(torch.tensor([self.L2I[lang]])) -> [1, DIM]
    # langs were constructed as integer ids, so L2I[lang] == lang for lang in 0..14
    lang_encoded = jnp.take(lang_table, jnp.array([lang], dtype=jnp.int32), axis=0)
    # torch: self.fc(torch.cat((char_encoded, lang_encoded), dim=1)) -> [1, DIM]
    x = jnp.concatenate((char_encoded, lang_encoded), axis=1)
    return x @ W.T + b

if __name__ == "__main__":
    import jax
    _d = setup_inputs()
    print(jax.jit(kernel)(*tuple(_d.values())))

</pallas_src>

<mosaic_0001>
#map = affine_map<(d0, d1) -> (0)>
#map1 = affine_map<(d0, d1) -> (0, 0)>
module attributes {stable_mosaic.version = 14 : i64} {
  func.func @_embed_fc_body(%arg0: i32, %arg1: i32, %arg2: memref<48xi32, #tpu.memory_space<hbm>>, %arg3: memref<8192xf32, #tpu.memory_space<hbm>>, %arg4: memref<2048xf32, #tpu.memory_space<hbm>>, %arg5: memref<128x256xf32, #tpu.memory_space<hbm>>, %arg6: memref<128xf32, #tpu.memory_space<hbm>>, %arg7: memref<128xf32, #tpu.memory_space<hbm>>, %arg8: memref<48xi32, #tpu.memory_space<vmem>>, %arg9: memref<8192xf32, #tpu.memory_space<vmem>>, %arg10: memref<2048xf32, #tpu.memory_space<vmem>>, %arg11: memref<16x256xf32, #tpu.memory_space<vmem>>, %arg12: memref<16xf32, #tpu.memory_space<vmem>>, %arg13: memref<16xf32, #tpu.memory_space<vmem>>, %arg14: memref<!tpu.dma_semaphore, #tpu.memory_space<semaphore_mem>>) attributes {dimension_semantics = [#tpu.dimension_semantics<core_parallel>, #tpu.dimension_semantics<subcore_parallel>], iteration_bounds = array<i64: 1, 8>, scalar_prefetch = 0 : i64, scratch_operands = 7 : i64, tpu.core_type = #tpu.core_type<sc_vector_subcore>, window_params = [{transform_indices = #map}, {transform_indices = #map}, {transform_indices = #map}, {transform_indices = #map1}, {transform_indices = #map}, {transform_indices = #map}]} {
    %lt3A = arith.constant 8 : i32
    %lt3A_0 = arith.cmpi slt, %arg1, %lt3A : i32
    %convert_element_type3A = arith.extui %lt3A_0 : i1 to i32
    %cond3A = arith.constant 0 : i32
    %cond3A_1 = arith.cmpi ne, %convert_element_type3A, %cond3A : i32
    scf.if %cond3A_1 {
      %mul3A = arith.constant 16 : i32
      %mul3A_2 = arith.muli %arg1, %mul3A : i32
      tpu.enqueue_dma source(%arg2 : memref<48xi32, #tpu.memory_space<hbm>>) target(%arg8 : memref<48xi32, #tpu.memory_space<vmem>>) target_semaphore(%arg14 : memref<!tpu.dma_semaphore, #tpu.memory_space<semaphore_mem>>)
      tpu.enqueue_dma source(%arg3 : memref<8192xf32, #tpu.memory_space<hbm>>) target(%arg9 : memref<8192xf32, #tpu.memory_space<vmem>>) target_semaphore(%arg14 : memref<!tpu.dma_semaphore, #tpu.memory_space<semaphore_mem>>)
      tpu.enqueue_dma source(%arg4 : memref<2048xf32, #tpu.memory_space<hbm>>) target(%arg10 : memref<2048xf32, #tpu.memory_space<vmem>>) target_semaphore(%arg14 : memref<!tpu.dma_semaphore, #tpu.memory_space<semaphore_mem>>)
      %dma_start3A = arith.constant 0 : i32
      %dma_start3A_3 = tpu.memref_slice %arg5[%mul3A_2, %dma_start3A] : memref<128x256xf32, #tpu.memory_space<hbm>> -> memref<16x256xf32, #tpu.memory_space<hbm>>
      %dma_start3A_4 = arith.constant 0 : i32
      %dma_start3A_5 = tpu.memref_slice %arg5[%mul3A_2, %dma_start3A_4] : memref<128x256xf32, #tpu.memory_space<hbm>> -> memref<16x256xf32, #tpu.memory_space<hbm>>
      tpu.enqueue_dma source(%dma_start3A_5 : memref<16x256xf32, #tpu.memory_space<hbm>>) target(%arg11 : memref<16x256xf32, #tpu.memory_space<vmem>>) target_semaphore(%arg14 : memref<!tpu.dma_semaphore, #tpu.memory_space<semaphore_mem>>)
      %dma_start3A_6 = tpu.memref_slice %arg6[%mul3A_2] : memref<128xf32, #tpu.memory_space<hbm>> -> memref<16xf32, #tpu.memory_space<hbm>>
      %dma_start3A_7 = tpu.memref_slice %arg6[%mul3A_2] : memref<128xf32, #tpu.memory_space<hbm>> -> memref<16xf32, #tpu.memory_space<hbm>>
      tpu.enqueue_dma source(%dma_start3A_7 : memref<16xf32, #tpu.memory_space<hbm>>) target(%arg12 : memref<16xf32, #tpu.memory_space<vmem>>) target_semaphore(%arg14 : memref<!tpu.dma_semaphore, #tpu.memory_space<semaphore_mem>>)
      tpu.wait_dma2 semaphore(%arg14 : memref<!tpu.dma_semaphore, #tpu.memory_space<semaphore_mem>>) src(%arg2 : memref<48xi32, #tpu.memory_space<hbm>>) dst(%arg8 : memref<48xi32, #tpu.memory_space<vmem>>)
      tpu.wait_dma2 semaphore(%arg14 : memref<!tpu.dma_semaphore, #tpu.memory_space<semaphore_mem>>) src(%arg3 : memref<8192xf32, #tpu.memory_space<hbm>>) dst(%arg9 : memref<8192xf32, #tpu.memory_space<vmem>>)
      tpu.wait_dma2 semaphore(%arg14 : memref<!tpu.dma_semaphore, #tpu.memory_space<semaphore_mem>>) src(%arg4 : memref<2048xf32, #tpu.memory_space<hbm>>) dst(%arg10 : memref<2048xf32, #tpu.memory_space<vmem>>)
      %dma_wait3A = arith.constant 0 : i32
      %dma_wait3A_8 = tpu.memref_slice %arg5[%mul3A_2, %dma_wait3A] : memref<128x256xf32, #tpu.memory_space<hbm>> -> memref<16x256xf32, #tpu.memory_space<hbm>>
      %dma_wait3A_9 = arith.constant 0 : i32
      %dma_wait3A_10 = tpu.memref_slice %arg5[%mul3A_2, %dma_wait3A_9] : memref<128x256xf32, #tpu.memory_space<hbm>> -> memref<16x256xf32, #tpu.memory_space<hbm>>
      tpu.wait_dma2 semaphore(%arg14 : memref<!tpu.dma_semaphore, #tpu.memory_space<semaphore_mem>>) src(%dma_wait3A_10 : memref<16x256xf32, #tpu.memory_space<hbm>>) dst(%arg11 : memref<16x256xf32, #tpu.memory_space<vmem>>)
      %dma_wait3A_11 = tpu.memref_slice %arg6[%mul3A_2] : memref<128xf32, #tpu.memory_space<hbm>> -> memref<16xf32, #tpu.memory_space<hbm>>
      %dma_wait3A_12 = tpu.memref_slice %arg6[%mul3A_2] : memref<128xf32, #tpu.memory_space<hbm>> -> memref<16xf32, #tpu.memory_space<hbm>>
      tpu.wait_dma2 semaphore(%arg14 : memref<!tpu.dma_semaphore, #tpu.memory_space<semaphore_mem>>) src(%dma_wait3A_12 : memref<16xf32, #tpu.memory_space<hbm>>) dst(%arg12 : memref<16xf32, #tpu.memory_space<vmem>>)
      %get3A = arith.constant 0 : index
      %get3A_13 = tpu.vector_load %arg8[%get3A] {strides = array<i32>} : memref<48xi32, #tpu.memory_space<vmem>>, vector<16xi32>,
      %get3A_14 = arith.constant 16 : index
      %get3A_15 = tpu.vector_load %arg8[%get3A_14] {strides = array<i32>} : memref<48xi32, #tpu.memory_space<vmem>>, vector<16xi32>,
      %get3A_16 = arith.constant 32 : index
      %get3A_17 = tpu.vector_load %arg8[%get3A_16] {strides = array<i32>} : memref<48xi32, #tpu.memory_space<vmem>>, vector<16xi32>,
      %shift_right_logical3A = arith.constant 8 : i32
      %shift_right_logical3A_18 = vector.broadcast %shift_right_logical3A : i32 to vector<16xi32>
      %shift_right_logical3A_19 = arith.shrui %get3A_17, %shift_right_logical3A_18 : vector<16xi32>
      %shift_left3A = arith.constant 7 : i32
      %shift_left3A_20 = vector.broadcast %shift_left3A : i32 to vector<16xi32>
      %shift_left3A_21 = arith.shli %get3A_13, %shift_left3A_20 : vector<16xi32>
      %add3A = arith.addi %shift_left3A_21, %shift_right_logical3A_19 : vector<16xi32>
      %shift_left3A_22 = arith.constant 7 : i32
      %shift_left3A_23 = vector.broadcast %shift_left3A_22 : i32 to vector<16xi32>
      %shift_left3A_24 = arith.shli %get3A_15, %shift_left3A_23 : vector<16xi32>
      %add3A_25 = arith.addi %shift_left3A_24, %shift_right_logical3A_19 : vector<16xi32>
      %broadcast_in_dim3A = arith.constant 0.000000e+00 : f32
      %broadcast_in_dim3A_26 = vector.broadcast %broadcast_in_dim3A : f32 to vector<16xf32>
      %broadcast_in_dim3A_27 = arith.constant 0.000000e+00 : f32
      %broadcast_in_dim3A_28 = vector.broadcast %broadcast_in_dim3A_27 : f32 to vector<16xf32>
      %broadcast_in_dim3A_29 = arith.constant 0.000000e+00 : f32
      %broadcast_in_dim3A_30 = vector.broadcast %broadcast_in_dim3A_29 : f32 to vector<16xf32>
      %broadcast_in_dim3A_31 = arith.constant 0.000000e+00 : f32
      %broadcast_in_dim3A_32 = vector.broadcast %broadcast_in_dim3A_31 : f32 to vector<16xf32>
      %broadcast_in_dim3A_33 = arith.constant 0.000000e+00 : f32
      %broadcast_in_dim3A_34 = vector.broadcast %broadcast_in_dim3A_33 : f32 to vector<16xf32>
      %broadcast_in_dim3A_35 = arith.constant 0.000000e+00 : f32
      %broadcast_in_dim3A_36 = vector.broadcast %broadcast_in_dim3A_35 : f32 to vector<16xf32>
      %broadcast_in_dim3A_37 = arith.constant 0.000000e+00 : f32
      %broadcast_in_dim3A_38 = vector.broadcast %broadcast_in_dim3A_37 : f32 to vector<16xf32>
      %broadcast_in_dim3A_39 = arith.constant 0.000000e+00 : f32
      %broadcast_in_dim3A_40 = vector.broadcast %broadcast_in_dim3A_39 : f32 to vector<16xf32>
      %broadcast_in_dim3A_41 = arith.constant 0.000000e+00 : f32
      %broadcast_in_dim3A_42 = vector.broadcast %broadcast_in_dim3A_41 : f32 to vector<16xf32>
      %broadcast_in_dim3A_43 = arith.constant 0.000000e+00 : f32
      %broadcast_in_dim3A_44 = vector.broadcast %broadcast_in_dim3A_43 : f32 to vector<16xf32>
      %broadcast_in_dim3A_45 = arith.constant 0.000000e+00 : f32
      %broadcast_in_dim3A_46 = vector.broadcast %broadcast_in_dim3A_45 : f32 to vector<16xf32>
      %broadcast_in_dim3A_47 = arith.constant 0.000000e+00 : f32
      %broadcast_in_dim3A_48 = vector.broadcast %broadcast_in_dim3A_47 : f32 to vector<16xf32>
      %broadcast_in_dim3A_49 = arith.constant 0.000000e+00 : f32
      %broadcast_in_dim3A_50 = vector.broadcast %broadcast_in_dim3A_49 : f32 to vector<16xf32>
      %broadcast_in_dim3A_51 = arith.constant 0.000000e+00 : f32
      %broadcast_in_dim3A_52 = vector.broadcast %broadcast_in_dim3A_51 : f32 to vector<16xf32>
      %broadcast_in_dim3A_53 = arith.constant 0.000000e+00 : f32
      %broadcast_in_dim3A_54 = vector.broadcast %broadcast_in_dim3A_53 : f32 to vector<16xf32>
      %broadcast_in_dim3A_55 = arith.constant 0.000000e+00 : f32
      %broadcast_in_dim3A_56 = vector.broadcast %broadcast_in_dim3A_55 : f32 to vector<16xf32>
      %add3A_57 = arith.constant 0 : i32
      %add3A_58 = vector.broadcast %add3A_57 : i32 to vector<16xi32>
      %add3A_59 = arith.addi %add3A, %add3A_58 : vector<16xi32>
      %gather3A = tpu.vector_load_idx %arg9[%add3A_59] : memref<8192xf32, #tpu.memory_space<vmem>>[vector<16xi32>], vector<16xf32>,
      %get3A_60 = arith.constant 0 : i32
      %get3A_61 = arith.index_cast %get3A_60 : i32 to index
      %get3A_62 = arith.constant 0 : index
      %get3A_63 = tpu.vector_load %arg11[%get3A_61, %get3A_62] {strides = array<i32>} : memref<16x256xf32, #tpu.memory_space<vmem>>, vector<16xf32>,
      %mul3A_64 = arith.mulf %gather3A, %get3A_63 : vector<16xf32>
      %add3A_65 = arith.addf %broadcast_in_dim3A_26, %mul3A_64 : vector<16xf32>
      %get3A_66 = arith.constant 1 : i32
      %get3A_67 = arith.index_cast %get3A_66 : i32 to index
      %get3A_68 = arith.constant 0 : index
      %get3A_69 = tpu.vector_load %arg11[%get3A_67, %get3A_68] {strides = array<i32>} : memref<16x256xf32, #tpu.memory_space<vmem>>, vector<16xf32>,
      %mul3A_70 = arith.mulf %gather3A, %get3A_69 : vector<16xf32>
      %add3A_71 = arith.addf %broadcast_in_dim3A_28, %mul3A_70 : vector<16xf32>
      %get3A_72 = arith.constant 2 : i32
      %get3A_73 = arith.index_cast %get3A_72 : i32 to index
      %get3A_74 = arith.constant 0 : index
      %get3A_75 = tpu.vector_load %arg11[%get3A_73, %get3A_74] {strides = array<i32>} : memref<16x256xf32, #tpu.memory_space<vmem>>, vector<16xf32>,
      %mul3A_76 = arith.mulf %gather3A, %get3A_75 : vector<16xf32>
      %add3A_77 = arith.addf %broadcast_in_dim3A_30, %mul3A_76 : vector<16xf32>
      %get3A_78 = arith.constant 3 : i32
      %get3A_79 = arith.index_cast %get3A_78 : i32 to index
      %get3A_80 = arith.constant 0 : index
      %get3A_81 = tpu.vector_load %arg11[%get3A_79, %get3A_80] {strides = array<i32>} : memref<16x256xf32, #tpu.memory_space<vmem>>, vector<16xf32>,
      %mul3A_82 = arith.mulf %gather3A, %get3A_81 : vector<16xf32>
      %add3A_83 = arith.addf %broadcast_in_dim3A_32, %mul3A_82 : vector<16xf32>
      %get3A_84 = arith.constant 4 : i32
      %get3A_85 = arith.index_cast %get3A_84 : i32 to index
      %get3A_86 = arith.constant 0 : index
      %get3A_87 = tpu.vector_load %arg11[%get3A_85, %get3A_86] {strides = array<i32>} : memref<16x256xf32, #tpu.memory_space<vmem>>, vector<16xf32>,
      %mul3A_88 = arith.mulf %gather3A, %get3A_87 : vector<16xf32>
      %add3A_89 = arith.addf %broadcast_in_dim3A_34, %mul3A_88 : vector<16xf32>
      %get3A_90 = arith.constant 5 : i32
      %get3A_91 = arith.index_cast %get3A_90 : i32 to index
      %get3A_92 = arith.constant 0 : index
      %get3A_93 = tpu.vector_load %arg11[%get3A_91, %get3A_92] {strides = array<i32>} : memref<16x256xf32, #tpu.memory_space<vmem>>, vector<16xf32>,
      %mul3A_94 = arith.mulf %gather3A, %get3A_93 : vector<16xf32>
      %add3A_95 = arith.addf %broadcast_in_dim3A_36, %mul3A_94 : vector<16xf32>
      %get3A_96 = arith.constant 6 : i32
      %get3A_97 = arith.index_cast %get3A_96 : i32 to index
      %get3A_98 = arith.constant 0 : index
      %get3A_99 = tpu.vector_load %arg11[%get3A_97, %get3A_98] {strides = array<i32>} : memref<16x256xf32, #tpu.memory_space<vmem>>, vector<16xf32>,
      %mul3A_100 = arith.mulf %gather3A, %get3A_99 : vector<16xf32>
      %add3A_101 = arith.addf %broadcast_in_dim3A_38, %mul3A_100 : vector<16xf32>
      %get3A_102 = arith.constant 7 : i32
      %get3A_103 = arith.index_cast %get3A_102 : i32 to index
      %get3A_104 = arith.constant 0 : index
      %get3A_105 = tpu.vector_load %arg11[%get3A_103, %get3A_104] {strides = array<i32>} : memref<16x256xf32, #tpu.memory_space<vmem>>, vector<16xf32>,
      %mul3A_106 = arith.mulf %gather3A, %get3A_105 : vector<16xf32>
      %add3A_107 = arith.addf %broadcast_in_dim3A_40, %mul3A_106 : vector<16xf32>
      %get3A_108 = arith.constant 8 : i32
      %get3A_109 = arith.index_cast %get3A_108 : i32 to index
      %get3A_110 = arith.constant 0 : index
      %get3A_111 = tpu.vector_load %arg11[%get3A_109, %get3A_110] {strides = array<i32>} : memref<16x256xf32, #tpu.memory_space<vmem>>, vector<16xf32>,
      %mul3A_112 = arith.mulf %gather3A, %get3A_111 : vector<16xf32>
      %add3A_113 = arith.addf %broadcast_in_dim3A_42, %mul3A_112 : vector<16xf32>
      %get3A_114 = arith.constant 9 : i32
      %get3A_115 = arith.index_cast %get3A_114 : i32 to index
      %get3A_116 = arith.constant 0 : index
      %get3A_117 = tpu.vector_load %arg11[%get3A_115, %get3A_116] {strides = array<i32>} : memref<16x256xf32, #tpu.memory_space<vmem>>, vector<16xf32>,
      %mul3A_118 = arith.mulf %gather3A, %get3A_117 : vector<16xf32>
      %add3A_119 = arith.addf %broadcast_in_dim3A_44, %mul3A_118 : vector<16xf32>
      %get3A_120 = arith.constant 10 : i32
      %get3A_121 = arith.index_cast %get3A_120 : i32 to index
      %get3A_122 = arith.constant 0 : index
      %get3A_123 = tpu.vector_load %arg11[%get3A_121, %get3A_122] {strides = array<i32>} : memref<16x256xf32, #tpu.memory_space<vmem>>, vector<16xf32>,
      %mul3A_124 = arith.mulf %gather3A, %get3A_123 : vector<16xf32>
      %add3A_125 = arith.addf %broadcast_in_dim3A_46, %mul3A_124 : vector<16xf32>
      %get3A_126 = arith.constant 11 : i32
      %get3A_127 = arith.index_cast %get3A_126 : i32 to index
      %get3A_128 = arith.constant 0 : index
      %get3A_129 = tpu.vector_load %arg11[%get3A_127, %get3A_128] {strides = array<i32>} : memref<16x256xf32, #tpu.memory_space<vmem>>, vector<16xf32>,
      %mul3A_130 = arith.mulf %gather3A, %get3A_129 : vector<16xf32>
      %add3A_131 = arith.addf %broadcast_in_dim3A_48, %mul3A_130 : vector<16xf32>
      %get3A_132 = arith.constant 12 : i32
      %get3A_133 = arith.index_cast %get3A_132 : i32 to index
      %get3A_134 = arith.constant 0 : index
      %get3A_135 = tpu.vector_load %arg11[%get3A_133, %get3A_134] {strides = array<i32>} : memref<16x256xf32, #tpu.memory_space<vmem>>, vector<16xf32>,
      %mul3A_136 = arith.mulf %gather3A, %get3A_135 : vector<16xf32>
      %add3A_137 = arith.addf %broadcast_in_dim3A_50, %mul3A_136 : vector<16xf32>
      %get3A_138 = arith.constant 13 : i32
      %get3A_139 = arith.index_cast %get3A_138 : i32 to index
      %get3A_140 = arith.constant 0 : index
      %get3A_141 = tpu.vector_load %arg11[%get3A_139, %get3A_140] {strides = array<i32>} : memref<16x256xf32, #tpu.memory_space<vmem>>, vector<16xf32>,
      %mul3A_142 = arith.mulf %gather3A, %get3A_141 : vector<16xf32>
      %add3A_143 = arith.addf %broadcast_in_dim3A_52, %mul3A_142 : vector<16xf32>
      %get3A_144 = arith.constant 14 : i32
      %get3A_145 = arith.index_cast %get3A_144 : i32 to index
      %get3A_146 = arith.constant 0 : index
      %get3A_147 = tpu.vector_load %arg11[%get3A_145, %get3A_146] {strides = array<i32>} : memref<16x256xf32, #tpu.memory_space<vmem>>, vector<16xf32>,
      %mul3A_148 = arith.mulf %gather3A, %get3A_147 : vector<16xf32>
      %add3A_149 = arith.addf %broadcast_in_dim3A_54, %mul3A_148 : vector<16xf32>
      %get3A_150 = arith.constant 15 : i32
      %get3A_151 = arith.index_cast %get3A_150 : i32 to index
      %get3A_152 = arith.constant 0 : index
      %get3A_153 = tpu.vector_load %arg11[%get3A_151, %get3A_152] {strides = array<i32>} : memref<16x256xf32, #tpu.memory_space<vmem>>, vector<16xf32>,
      %mul3A_154 = arith.mulf %gather3A, %get3A_153 : vector<16xf32>
      %add3A_155 = arith.addf %broadcast_in_dim3A_56, %mul3A_154 : vector<16xf32>
      %add3A_156 = arith.constant 16 : i32
      %add3A_157 = vector.broadcast %add3A_156 : i32 to vector<16xi32>
      %add3A_158 = arith.addi %add3A, %add3A_157 : vector<16xi32>
      %gather3A_159 = tpu.vector_load_idx %arg9[%add3A_158] : memref<8192xf32, #tpu.memory_space<vmem>>[vector<16xi32>], vector<16xf32>,
      %get3A_160 = arith.constant 0 : i32
      %get3A_161 = arith.index_cast %get3A_160 : i32 to index
      %get3A_162 = arith.constant 16 : index
      %get3A_163 = tpu.vector_load %arg11[%get3A_161, %get3A_162] {strides = array<i32>} : memref<16x256xf32, #tpu.memory_space<vmem>>, vector<16xf32>,
      %mul3A_164 = arith.mulf %gather3A_159, %get3A_163 : vector<16xf32>
      %add3A_165 = arith.addf %add3A_65, %mul3A_164 : vector<16xf32>
      %get3A_166 = arith.constant 1 : i32
      %get3A_167 = arith.index_cast %get3A_166 : i32 to index
      %get3A_168 = arith.constant 16 : index
      %get3A_169 = tpu.vector_load %arg11[%get3A_167, %get3A_168] {strides = array<i32>} : memref<16x256xf32, #tpu.memory_space<vmem>>, vector<16xf32>,
      %mul3A_170 = arith.mulf %gather3A_159, %get3A_169 : vector<16xf32>
      %add3A_171 = arith.addf %add3A_71, %mul3A_170 : vector<16xf32>
      %get3A_172 = arith.constant 2 : i32
      %get3A_173 = arith.index_cast %get3A_172 : i32 to index
      %get3A_174 = arith.constant 16 : index
      %get3A_175 = tpu.vector_load %arg11[%get3A_173, %get3A_174] {strides = array<i32>} : memref<16x256xf32, #tpu.memory_space<vmem>>, vector<16xf32>,
      %mul3A_176 = arith.mulf %gather3A_159, %get3A_175 : vector<16xf32>
      %add3A_177 = arith.addf %add3A_77, %mul3A_176 : vector<16xf32>
      %get3A_178 = arith.constant 3 : i32
      %get3A_179 = arith.index_cast %get3A_178 : i32 to index
      %get3A_180 = arith.constant 16 : index
      %get3A_181 = tpu.vector_load %arg11[%get3A_179, %get3A_180] {strides = array<i32>} : memref<16x256xf32, #tpu.memory_space<vmem>>, vector<16xf32>,
      %mul3A_182 = arith.mulf %gather3A_159, %get3A_181 : vector<16xf32>
      %add3A_183 = arith.addf %add3A_83, %mul3A_182 : vector<16xf32>
      %get3A_184 = arith.constant 4 : i32
      %get3A_185 = arith.index_cast %get3A_184 : i32 to index
      %get3A_186 = arith.constant 16 : index
      %get3A_187 = tpu.vector_load %arg11[%get3A_185, %get3A_186] {strides = array<i32>} : memref<16x256xf32, #tpu.memory_space<vmem>>, vector<16xf32>,
      %mul3A_188 = arith.mulf %gather3A_159, %get3A_187 : vector<16xf32>
      %add3A_189 = arith.addf %add3A_89, %mul3A_188 : vector<16xf32>
      %get3A_190 = arith.constant 5 : i32
      %get3A_191 = arith.index_cast %get3A_190 : i32 to index
      %get3A_192 = arith.constant 16 : index
      %get3A_193 = tpu.vector_load %arg11[%get3A_191, %get3A_192] {strides = array<i32>} : memref<16x256xf32, #tpu.memory_space<vmem>>, vector<16xf32>,
      %mul3A_194 = arith.mulf %gather3A_159, %get3A_193 : vector<16xf32>
      %add3A_195 = arith.addf %add3A_95, %mul3A_194 : vector<16xf32>
      %get3A_196 = arith.constant 6 : i32
      %get3A_197 = arith.index_cast %get3A_196 : i32 to index
      %get3A_198 = arith.constant 16 : index
      %get3A_199 = tpu.vector_load %arg11[%get3A_197, %get3A_198] {strides = array<i32>} : memref<16x256xf32, #tpu.memory_space<vmem>>, vector<16xf32>,
      %mul3A_200 = arith.mulf %gather3A_159, %get3A_199 : vector<16xf32>
      %add3A_201 = arith.addf %add3A_101, %mul3A_200 : vector<16xf32>
      %get3A_202 = arith.constant 7 : i32
      %get3A_203 = arith.index_cast %get3A_202 : i32 to index
      %get3A_204 = arith.constant 16 : index
      %get3A_205 = tpu.vector_load %arg11[%get3A_203, %get3A_204] {strides = array<i32>} : memref<16x256xf32, #tpu.memory_space<vmem>>, vector<16xf32>,
      %mul3A_206 = arith.mulf %gather3A_159, %get3A_205 : vector<16xf32>
      %add3A_207 = arith.addf %add3A_107, %mul3A_206 : vector<16xf32>
      %get3A_208 = arith.constant 8 : i32
      %get3A_209 = arith.index_cast %get3A_208 : i32 to index
      %get3A_210 = arith.constant 16 : index
      %get3A_211 = tpu.vector_load %arg11[%get3A_209, %get3A_210] {strides = array<i32>} : memref<16x256xf32, #tpu.memory_space<vmem>>, vector<16xf32>,
      %mul3A_212 = arith.mulf %gather3A_159, %get3A_211 : vector<16xf32>
      %add3A_213 = arith.addf %add3A_113, %mul3A_212 : vector<16xf32>
      %get3A_214 = arith.constant 9 : i32
      %get3A_215 = arith.index_cast %get3A_214 : i32 to index
      %get3A_216 = arith.constant 16 : index
      %get3A_217 = tpu.vector_load %arg11[%get3A_215, %get3A_216] {strides = array<i32>} : memref<16x256xf32, #tpu.memory_space<vmem>>, vector<16xf32>,
      %mul3A_218 = arith.mulf %gather3A_159, %get3A_217 : vector<16xf32>
      %add3A_219 = arith.addf %add3A_119, %mul3A_218 : vector<16xf32>
      %get3A_220 = arith.constant 10 : i32
      %get3A_221 = arith.index_cast %get3A_220 : i32 to index
      %get3A_222 = arith.constant 16 : index
      %get3A_223 = tpu.vector_load %arg11[%get3A_221, %get3A_222] {strides = array<i32>} : memref<16x256xf32, #tpu.memory_space<vmem>>, vector<16xf32>,
      %mul3A_224 = arith.mulf %gather3A_159, %get3A_223 : vector<16xf32>
      %add3A_225 = arith.addf %add3A_125, %mul3A_224 : vector<16xf32>
      %get3A_226 = arith.constant 11 : i32
      %get3A_227 = arith.index_cast %get3A_226 : i32 to index
      %get3A_228 = arith.constant 16 : index
      %get3A_229 = tpu.vector_load %arg11[%get3A_227, %get3A_228] {strides = array<i32>} : memref<16x256xf32, #tpu.memory_space<vmem>>, vector<16xf32>,
      %mul3A_230 = arith.mulf %gather3A_159, %get3A_229 : vector<16xf32>
      %add3A_231 = arith.addf %add3A_131, %mul3A_230 : vector<16xf32>
      %get3A_232 = arith.constant 12 : i32
      %get3A_233 = arith.index_cast %get3A_232 : i32 to index
      %get3A_234 = arith.constant 16 : index
      %get3A_235 = tpu.vector_load %arg11[%get3A_233, %get3A_234] {strides = array<i32>} : memref<16x256xf32, #tpu.memory_space<vmem>>, vector<16xf32>,
      %mul3A_236 = arith.mulf %gather3A_159, %get3A_235 : vector<16xf32>
      %add3A_237 = arith.addf %add3A_137, %mul3A_236 : vector<16xf32>
      %get3A_238 = arith.constant 13 : i32
      %get3A_239 = arith.index_cast %get3A_238 : i32 to index
      %get3A_240 = arith.constant 16 : index
      %get3A_241 = tpu.vector_load %arg11[%get3A_239, %get3A_240] {strides = array<i32>} : memref<16x256xf32, #tpu.memory_space<vmem>>, vector<16xf32>,
      %mul3A_242 = arith.mulf %gather3A_159, %get3A_241 : vector<16xf32>
      %add3A_243 = arith.addf %add3A_143, %mul3A_242 : vector<16xf32>
      %get3A_244 = arith.constant 14 : i32
      %get3A_245 = arith.index_cast %get3A_244 : i32 to index
      %get3A_246 = arith.constant 16 : index
      %get3A_247 = tpu.vector_load %arg11[%get3A_245, %get3A_246] {strides = array<i32>} : memref<16x256xf32, #tpu.memory_space<vmem>>, vector<16xf32>,
      %mul3A_248 = arith.mulf %gather3A_159, %get3A_247 : vector<16xf32>
      %add3A_249 = arith.addf %add3A_149, %mul3A_248 : vector<16xf32>
      %get3A_250 = arith.constant 15 : i32
      %get3A_251 = arith.index_cast %get3A_250 : i32 to index
      %get3A_252 = arith.constant 16 : index
      %get3A_253 = tpu.vector_load %arg11[%get3A_251, %get3A_252] {strides = array<i32>} : memref<16x256xf32, #tpu.memory_space<vmem>>, vector<16xf32>,
      %mul3A_254 = arith.mulf %gather3A_159, %get3A_253 : vector<16xf32>
      %add3A_255 = arith.addf %add3A_155, %mul3A_254 : vector<16xf32>
      %add3A_256 = arith.constant 32 : i32
      %add3A_257 = vector.broadcast %add3A_256 : i32 to vector<16xi32>
      %add3A_258 = arith.addi %add3A, %add3A_257 : vector<16xi32>
      %gather3A_259 = tpu.vector_load_idx %arg9[%add3A_258] : memref<8192xf32, #tpu.memory_space<vmem>>[vector<16xi32>], vector<16xf32>,
      %get3A_260 = arith.constant 0 : i32
      %get3A_261 = arith.index_cast %get3A_260 : i32 to index
      %get3A_262 = arith.constant 32 : index
      %get3A_263 = tpu.vector_load %arg11[%get3A_261, %get3A_262] {strides = array<i32>} : memref<16x256xf32, #tpu.memory_space<vmem>>, vector<16xf32>,
      %mul3A_264 = arith.mulf %gather3A_259, %get3A_263 : vector<16xf32>
      %add3A_265 = arith.addf %add3A_165, %mul3A_264 : vector<16xf32>
      %get3A_266 = arith.constant 1 : i32
      %get3A_267 = arith.index_cast %get3A_266 : i32 to index
      %get3A_268 = arith.constant 32 : index
      %get3A_269 = tpu.vector_load %arg11[%get3A_267, %get3A_268] {strides = array<i32>} : memref<16x256xf32, #tpu.memory_space<vmem>>, vector<16xf32>,
      %mul3A_270 = arith.mulf %gather3A_259, %get3A_269 : vector<16xf32>
      %add3A_271 = arith.addf %add3A_171, %mul3A_270 : vector<16xf32>
      %get3A_272 = arith.constant 2 : i32
      %get3A_273 = arith.index_cast %get3A_272 : i32 to index
      %get3A_274 = arith.constant 32 : index
      %get3A_275 = tpu.vector_load %arg11[%get3A_273, %get3A_274] {strides = array<i32>} : memref<16x256xf32, #tpu.memory_space<vmem>>, vector<16xf32>,
      %mul3A_276 = arith.mulf %gather3A_259, %get3A_275 : vector<16xf32>
      %add3A_277 = arith.addf %add3A_177, %mul3A_276 : vector<16xf32>
      %get3A_278 = arith.constant 3 : i32
      %get3A_279 = arith.index_cast %get3A_278 : i32 to index
      %get3A_280 = arith.constant 32 : index
      %get3A_281 = tpu.vector_load %arg11[%get3A_279, %get3A_280] {strides = array<i32>} : memref<16x256xf32, #tpu.memory_space<vmem>>, vector<16xf32>,
      %mul3A_282 = arith.mulf %gather3A_259, %get3A_281 : vector<16xf32>
      %add3A_283 = arith.addf %add3A_183, %mul3A_282 : vector<16xf32>
      %get3A_284 = arith.constant 4 : i32
      %get3A_285 = arith.index_cast %get3A_284 : i32 to index
      %get3A_286 = arith.constant 32 : index
      %get3A_287 = tpu.vector_load %arg11[%get3A_285, %get3A_286] {strides = array<i32>} : memref<16x256xf32, #tpu.memory_space<vmem>>, vector<16xf32>,
      %mul3A_288 = arith.mulf %gather3A_259, %get3A_287 : vector<16xf32>
      %add3A_289 = arith.addf %add3A_189, %mul3A_288 : vector<16xf32>
      %get3A_290 = arith.constant 5 : i32
      %get3A_291 = arith.index_cast %get3A_290 : i32 to index
      %get3A_292 = arith.constant 32 : index
      %get3A_293 = tpu.vector_load %arg11[%get3A_291, %get3A_292] {strides = array<i32>} : memref<16x256xf32, #tpu.memory_space<vmem>>, vector<16xf32>,
      %mul3A_294 = arith.mulf %gather3A_259, %get3A_293 : vector<16xf32>
      %add3A_295 = arith.addf %add3A_195, %mul3A_294 : vector<16xf32>
      %get3A_296 = arith.constant 6 : i32
      %get3A_297 = arith.index_cast %get3A_296 : i32 to index
      %get3A_298 = arith.constant 32 : index
      %get3A_299 = tpu.vector_load %arg11[%get3A_297, %get3A_298] {strides = array<i32>} : memref<16x256xf32, #tpu.memory_space<vmem>>, vector<16xf32>,
      %mul3A_300 = arith.mulf %gather3A_259, %get3A_299 : vector<16xf32>
      %add3A_301 = arith.addf %add3A_201, %mul3A_300 : vector<16xf32>
      %get3A_302 = arith.constant 7 : i32
      %get3A_303 = arith.index_cast %get3A_302 : i32 to index
      %get3A_304 = arith.constant 32 : index
      %get3A_305 = tpu.vector_load %arg11[%get3A_303, %get3A_304] {strides = array<i32>} : memref<16x256xf32, #tpu.memory_space<vmem>>, vector<16xf32>,
      %mul3A_306 = arith.mulf %gather3A_259, %get3A_305 : vector<16xf32>
      %add3A_307 = arith.addf %add3A_207, %mul3A_306 : vector<16xf32>
      %get3A_308 = arith.constant 8 : i32
      %get3A_309 = arith.index_cast %get3A_308 : i32 to index
      %get3A_310 = arith.constant 32 : index
      %get3A_311 = tpu.vector_load %arg11[%get3A_309, %get3A_310] {strides = array<i32>} : memref<16x256xf32, #tpu.memory_space<vmem>>, vector<16xf32>,
      %mul3A_312 = arith.mulf %gather3A_259, %get3A_311 : vector<16xf32>
      %add3A_313 = arith.addf %add3A_213, %mul3A_312 : vector<16xf32>
      %get3A_314 = arith.constant 9 : i32
      %get3A_315 = arith.index_cast %get3A_314 : i32 to index
      %get3A_316 = arith.constant 32 : index
      %get3A_317 = tpu.vector_load %arg11[%get3A_315, %get3A_316] {strides = array<i32>} : memref<16x256xf32, #tpu.memory_space<vmem>>, vector<16xf32>,
      %mul3A_318 = arith.mulf %gather3A_259, %get3A_317 : vector<16xf32>
      %add3A_319 = arith.addf %add3A_219, %mul3A_318 : vector<16xf32>
      %get3A_320 = arith.constant 10 : i32
      %get3A_321 = arith.index_cast %get3A_320 : i32 to index
      %get3A_322 = arith.constant 32 : index
      %get3A_323 = tpu.vector_load %arg11[%get3A_321, %get3A_322] {strides = array<i32>} : memref<16x256xf32, #tpu.memory_space<vmem>>, vector<16xf32>,
      %mul3A_324 = arith.mulf %gather3A_259, %get3A_323 : vector<16xf32>
      %add3A_325 = arith.addf %add3A_225, %mul3A_324 : vector<16xf32>
      %get3A_326 = arith.constant 11 : i32
      %get3A_327 = arith.index_cast %get3A_326 : i32 to index
      %get3A_328 = arith.constant 32 : index
      %get3A_329 = tpu.vector_load %arg11[%get3A_327, %get3A_328] {strides = array<i32>} : memref<16x256xf32, #tpu.memory_space<vmem>>, vector<16xf32>,
      %mul3A_330 = arith.mulf %gather3A_259, %get3A_329 : vector<16xf32>
      %add3A_331 = arith.addf %add3A_231, %mul3A_330 : vector<16xf32>
      %get3A_332 = arith.constant 12 : i32
      %get3A_333 = arith.index_cast %get3A_332 : i32 to index
      %get3A_334 = arith.constant 32 : index
      %get3A_335 = tpu.vector_load %arg11[%get3A_333, %get3A_334] {strides = array<i32>} : memref<16x256xf32, #tpu.memory_space<vmem>>, vector<16xf32>,
      %mul3A_336 = arith.mulf %gather3A_259, %get3A_335 : vector<16xf32>
      %add3A_337 = arith.addf %add3A_237, %mul3A_336 : vector<16xf32>
      %get3A_338 = arith.constant 13 : i32
      %get3A_339 = arith.index_cast %get3A_338 : i32 to index
      %get3A_340 = arith.constant 32 : index
      %get3A_341 = tpu.vector_load %arg11[%get3A_339, %get3A_340] {strides = array<i32>} : memref<16x256xf32, #tpu.memory_space<vmem>>, vector<16xf32>,
      %mul3A_342 = arith.mulf %gather3A_259, %get3A_341 : vector<16xf32>
      %add3A_343 = arith.addf %add3A_243, %mul3A_342 : vector<16xf32>
      %get3A_344 = arith.constant 14 : i32
      %get3A_345 = arith.index_cast %get3A_344 : i32 to index
      %get3A_346 = arith.constant 32 : index
      %get3A_347 = tpu.vector_load %arg11[%get3A_345, %get3A_346] {strides = array<i32>} : memref<16x256xf32, #tpu.memory_space<vmem>>, vector<16xf32>,
      %mul3A_348 = arith.mulf %gather3A_259, %get3A_347 : vector<16xf32>
      %add3A_349 = arith.addf %add3A_249, %mul3A_348 : vector<16xf32>
      %get3A_350 = arith.constant 15 : i32
      %get3A_351 = arith.index_cast %get3A_350 : i32 to index
      %get3A_352 = arith.constant 32 : index
      %get3A_353 = tpu.vector_load %arg11[%get3A_351, %get3A_352] {strides = array<i32>} : memref<16x256xf32, #tpu.memory_space<vmem>>, vector<16xf32>,
      %mul3A_354 = arith.mulf %gather3A_259, %get3A_353 : vector<16xf32>
      %add3A_355 = arith.addf %add3A_255, %mul3A_354 : vector<16xf32>
      %add3A_356 = arith.constant 48 : i32
      %add3A_357 = vector.broadcast %add3A_356 : i32 to vector<16xi32>
      %add3A_358 = arith.addi %add3A, %add3A_357 : vector<16xi32>
      %gather3A_359 = tpu.vector_load_idx %arg9[%add3A_358] : memref<8192xf32, #tpu.memory_space<vmem>>[vector<16xi32>], vector<16xf32>,
      %get3A_360 = arith.constant 0 : i32
      %get3A_361 = arith.index_cast %get3A_360 : i32 to index
      %get3A_362 = arith.constant 48 : index
      %get3A_363 = tpu.vector_load %arg11[%get3A_361, %get3A_362] {strides = array<i32>} : memref<16x256xf32, #tpu.memory_space<vmem>>, vector<16xf32>,
      %mul3A_364 = arith.mulf %gather3A_359, %get3A_363 : vector<16xf32>
      %add3A_365 = arith.addf %add3A_265, %mul3A_364 : vector<16xf32>
      %get3A_366 = arith.constant 1 : i32
      %get3A_367 = arith.index_cast %get3A_366 : i32 to index
      %get3A_368 = arith.constant 48 : index
      %get3A_369 = tpu.vector_load %arg11[%get3A_367, %get3A_368] {strides = array<i32>} : memref<16x256xf32, #tpu.memory_space<vmem>>, vector<16xf32>,
      %mul3A_370 = arith.mulf %gather3A_359, %get3A_369 : vector<16xf32>
      %add3A_371 = arith.addf %add3A_271, %mul3A_370 : vector<16xf32>
      %get3A_372 = arith.constant 2 : i32
      %get3A_373 = arith.index_cast %get3A_372 : i32 to index
      %get3A_374 = arith.constant 48 : index
      %get3A_375 = tpu.vector_load %arg11[%get3A_373, %get3A_374] {strides = array<i32>} : memref<16x256xf32, #tpu.memory_space<vmem>>, vector<16xf32>,
      %mul3A_376 = arith.mulf %gather3A_359, %get3A_375 : vector<16xf32>
      %add3A_377 = arith.addf %add3A_277, %mul3A_376 : vector<16xf32>
      %get3A_378 = arith.constant 3 : i32
      %get3A_379 = arith.index_cast %get3A_378 : i32 to index
      %get3A_380 = arith.constant 48 : index
      %get3A_381 = tpu.vector_load %arg11[%get3A_379, %get3A_380] {strides = array<i32>} : memref<16x256xf32, #tpu.memory_space<vmem>>, vector<16xf32>,
      %mul3A_382 = arith.mulf %gather3A_359, %get3A_381 : vector<16xf32>
      %add3A_383 = arith.addf %add3A_283, %mul3A_382 : vector<16xf32>
      %get3A_384 = arith.constant 4 : i32
      %get3A_385 = arith.index_cast %get3A_384 : i32 to index
      %get3A_386 = arith.constant 48 : index
      %get3A_387 = tpu.vector_load %arg11[%get3A_385, %get3A_386] {strides = array<i32>} : memref<16x256xf32, #tpu.memory_space<vmem>>, vector<16xf32>,
      %mul3A_388 = arith.mulf %gather3A_359, %get3A_387 : vector<16xf32>
      %add3A_389 = arith.addf %add3A_289, %mul3A_388 : vector<16xf32>
      %get3A_390 = arith.constant 5 : i32
      %get3A_391 = arith.index_cast %get3A_390 : i32 to index
      %get3A_392 = arith.constant 48 : index
      %get3A_393 = tpu.vector_load %arg11[%get3A_391, %get3A_392] {strides = array<i32>} : memref<16x256xf32, #tpu.memory_space<vmem>>, vector<16xf32>,
      %mul3A_394 = arith.mulf %gather3A_359, %get3A_393 : vector<16xf32>
      %add3A_395 = arith.addf %add3A_295, %mul3A_394 : vector<16xf32>
      %get3A_396 = arith.constant 6 : i32
      %get3A_397 = arith.index_cast %get3A_396 : i32 to index
      %get3A_398 = arith.constant 48 : index
      %get3A_399 = tpu.vector_load %arg11[%get3A_397, %get3A_398] {strides = array<i32>} : memref<16x256xf32, #tpu.memory_space<vmem>>, vector<16xf32>,
      %mul3A_400 = arith.mulf %gather3A_359, %get3A_399 : vector<16xf32>
      %add3A_401 = arith.addf %add3A_301, %mul3A_400 : vector<16xf32>
      %get3A_402 = arith.constant 7 : i32
      %get3A_403 = arith.index_cast %get3A_402 : i32 to index
      %get3A_404 = arith.constant 48 : index
      %get3A_405 = tpu.vector_load %arg11[%get3A_403, %get3A_404] {strides = array<i32>} : memref<16x256xf32, #tpu.memory_space<vmem>>, vector<16xf32>,
      %mul3A_406 = arith.mulf %gather3A_359, %get3A_405 : vector<16xf32>
      %add3A_407 = arith.addf %add3A_307, %mul3A_406 : vector<16xf32>
      %get3A_408 = arith.constant 8 : i32
      %get3A_409 = arith.index_cast %get3A_408 : i32 to index
      %get3A_410 = arith.constant 48 : index
      %get3A_411 = tpu.vector_load %arg11[%get3A_409, %get3A_410] {strides = array<i32>} : memref<16x256xf32, #tpu.memory_space<vmem>>, vector<16xf32>,
      %mul3A_412 = arith.mulf %gather3A_359, %get3A_411 : vector<16xf32>
      %add3A_413 = arith.addf %add3A_313, %mul3A_412 : vector<16xf32>
      %get3A_414 = arith.constant 9 : i32
      %get3A_415 = arith.index_cast %get3A_414 : i32 to index
      %get3A_416 = arith.constant 48 : index
      %get3A_417 = tpu.vector_load %arg11[%get3A_415, %get3A_416] {strides = array<i32>} : memref<16x256xf32, #tpu.memory_space<vmem>>, vector<16xf32>,
      %mul3A_418 = arith.mulf %gather3A_359, %get3A_417 : vector<16xf32>
      %add3A_419 = arith.addf %add3A_319, %mul3A_418 : vector<16xf32>
      %get3A_420 = arith.constant 10 : i32
      %get3A_421 = arith.index_cast %get3A_420 : i32 to index
      %get3A_422 = arith.constant 48 : index
      %get3A_423 = tpu.vector_load %arg11[%get3A_421, %get3A_422] {strides = array<i32>} : memref<16x256xf32, #tpu.memory_space<vmem>>, vector<16xf32>,
      %mul3A_424 = arith.mulf %gather3A_359, %get3A_423 : vector<16xf32>
      %add3A_425 = arith.addf %add3A_325, %mul3A_424 : vector<16xf32>
      %get3A_426 = arith.constant 11 : i32
      %get3A_427 = arith.index_cast %get3A_426 : i32 to index
      %get3A_428 = arith.constant 48 : index
      %get3A_429 = tpu.vector_load %arg11[%get3A_427, %get3A_428] {strides = array<i32>} : memref<16x256xf32, #tpu.memory_space<vmem>>, vector<16xf32>,
      %mul3A_430 = arith.mulf %gather3A_359, %get3A_429 : vector<16xf32>
      %add3A_431 = arith.addf %add3A_331, %mul3A_430 : vector<16xf32>
      %get3A_432 = arith.constant 12 : i32
      %get3A_433 = arith.index_cast %get3A_432 : i32 to index
      %get3A_434 = arith.constant 48 : index
      %get3A_435 = tpu.vector_load %arg11[%get3A_433, %get3A_434] {strides = array<i32>} : memref<16x256xf32, #tpu.memory_space<vmem>>, vector<16xf32>,
      %mul3A_436 = arith.mulf %gather3A_359, %get3A_435 : vector<16xf32>
      %add3A_437 = arith.addf %add3A_337, %mul3A_436 : vector<16xf32>
      %get3A_438 = arith.constant 13 : i32
      %get3A_439 = arith.index_cast %get3A_438 : i32 to index
      %get3A_440 = arith.constant 48 : index
      %get3A_441 = tpu.vector_load %arg11[%get3A_439, %get3A_440] {strides = array<i32>} : memref<16x256xf32, #tpu.memory_space<vmem>>, vector<16xf32>,
      %mul3A_442 = arith.mulf %gather3A_359, %get3A_441 : vector<16xf32>
      %add3A_443 = arith.addf %add3A_343, %mul3A_442 : vector<16xf32>
      %get3A_444 = arith.constant 14 : i32
      %get3A_445 = arith.index_cast %get3A_444 : i32 to index
      %get3A_446 = arith.constant 48 : index
      %get3A_447 = tpu.vector_load %arg11[%get3A_445, %get3A_446] {strides = array<i32>} : memref<16x256xf32, #tpu.memory_space<vmem>>, vector<16xf32>,
      %mul3A_448 = arith.mulf %gather3A_359, %get3A_447 : vector<16xf32>
      %add3A_449 = arith.addf %add3A_349, %mul3A_448 : vector<16xf32>
      %get3A_450 = arith.constant 15 : i32
      %get3A_451 = arith.index_cast %get3A_450 : i32 to index
      %get3A_452 = arith.constant 48 : index
      %get3A_453 = tpu.vector_load %arg11[%get3A_451, %get3A_452] {strides = array<i32>} : memref<16x256xf32, #tpu.memory_space<vmem>>, vector<16xf32>,
      %mul3A_454 = arith.mulf %gather3A_359, %get3A_453 : vector<16xf32>
      %add3A_455 = arith.addf %add3A_355, %mul3A_454 : vector<16xf32>
      %add3A_456 = arith.constant 64 : i32
      %add3A_457 = vector.broadcast %add3A_456 : i32 to vector<16xi32>
      %add3A_458 = arith.addi %add3A, %add3A_457 : vector<16xi32>
      %gather3A_459 = tpu.vector_load_idx %arg9[%add3A_458] : memref<8192xf32, #tpu.memory_space<vmem>>[vector<16xi32>], vector<16xf32>,
      %get3A_460 = arith.constant 0 : i32
      %get3A_461 = arith.index_cast %get3A_460 : i32 to index
      %get3A_462 = arith.constant 64 : index
      %get3A_463 = tpu.vector_load %arg11[%get3A_461, %get3A_462] {strides = array<i32>} : memref<16x256xf32, #tpu.memory_space<vmem>>, vector<16xf32>,
      %mul3A_464 = arith.mulf %gather3A_459, %get3A_463 : vector<16xf32>
      %add3A_465 = arith.addf %add3A_365, %mul3A_464 : vector<16xf32>
      %get3A_466 = arith.constant 1 : i32
      %get3A_467 = arith.index_cast %get3A_466 : i32 to index
      %get3A_468 = arith.constant 64 : index
      %get3A_469 = tpu.vector_load %arg11[%get3A_467, %get3A_468] {strides = array<i32>} : memref<16x256xf32, #tpu.memory_space<vmem>>, vector<16xf32>,
      %mul3A_470 = arith.mulf %gather3A_459, %get3A_469 : vector<16xf32>
      %add3A_471 = arith.addf %add3A_371, %mul3A_470 : vector<16xf32>
      %get3A_472 = arith.constant 2 : i32
      %get3A_473 = arith.index_cast %get3A_472 : i32 to index
      %get3A_474 = arith.constant 64 : index
      %get3A_475 = tpu.vector_load %arg11[%get3A_473, %get3A_474] {strides = array<i32>} : memref<16x256xf32, #tpu.memory_space<vmem>>, vector<16xf32>,
      %mul3A_476 = arith.mulf %gather3A_459, %get3A_475 : vector<16xf32>
      %add3A_477 = arith.addf %add3A_377, %mul3A_476 : vector<16xf32>
      %get3A_478 = arith.constant 3 : i32
      %get3A_479 = arith.index_cast %get3A_478 : i32 to index
      %get3A_480 = arith.constant 64 : index
      %get3A_481 = tpu.vector_load %arg11[%get3A_479, %get3A_480] {strides = array<i32>} : memref<16x256xf32, #tpu.memory_space<vmem>>, vector<16xf32>,
      %mul3A_482 = arith.mulf %gather3A_459, %get3A_481 : vector<16xf32>
      %add3A_483 = arith.addf %add3A_383, %mul3A_482 : vector<16xf32>
      %get3A_484 = arith.constant 4 : i32
      %get3A_485 = arith.index_cast %get3A_484 : i32 to index
      %get3A_486 = arith.constant 64 : index
      %get3A_487 = tpu.vector_load %arg11[%get3A_485, %get3A_486] {strides = array<i32>} : memref<16x256xf32, #tpu.memory_space<vmem>>, vector<16xf32>,
      %mul3A_488 = arith.mulf %gather3A_459, %get3A_487 : vector<16xf32>
      %add3A_489 = arith.addf %add3A_389, %mul3A_488 : vector<16xf32>
      %get3A_490 = arith.constant 5 : i32
      %get3A_491 = arith.index_cast %get3A_490 : i32 to index
      %get3A_492 = arith.constant 64 : index
      %get3A_493 = tpu.vector_load %arg11[%get3A_491, %get3A_492] {strides = array<i32>} : memref<16x256xf32, #tpu.memory_space<vmem>>, vector<16xf32>,
      %mul3A_494 = arith.mulf %gather3A_459, %get3A_493 : vector<16xf32>
      %add3A_495 = arith.addf %add3A_395, %mul3A_494 : vector<16xf32>
      %get3A_496 = arith.constant 6 : i32
      %get3A_497 = arith.index_cast %get3A_496 : i32 to index
      %get3A_498 = arith.constant 64 : index
      %get3A_499 = tpu.vector_load %arg11[%get3A_497, %get3A_498] {strides = array<i32>} : memref<16x256xf32, #tpu.memory_space<vmem>>, vector<16xf32>,
      %mul3A_500 = arith.mulf %gather3A_459, %get3A_499 : vector<16xf32>
      %add3A_501 = arith.addf %add3A_401, %mul3A_500 : vector<16xf32>
      %get3A_502 = arith.constant 7 : i32
      %get3A_503 = arith.index_cast %get3A_502 : i32 to index
      %get3A_504 = arith.constant 64 : index
      %get3A_505 = tpu.vector_load %arg11[%get3A_503, %get3A_504] {strides = array<i32>} : memref<16x256xf32, #tpu.memory_space<vmem>>, vector<16xf32>,
      %mul3A_506 = arith.mulf %gather3A_459, %get3A_505 : vector<16xf32>
      %add3A_507 = arith.addf %add3A_407, %mul3A_506 : vector<16xf32>
      %get3A_508 = arith.constant 8 : i32
      %get3A_509 = arith.index_cast %get3A_508 : i32 to index
      %get3A_510 = arith.constant 64 : index
      %get3A_511 = tpu.vector_load %arg11[%get3A_509, %get3A_510] {strides = array<i32>} : memref<16x256xf32, #tpu.memory_space<vmem>>, vector<16xf32>,
      %mul3A_512 = arith.mulf %gather3A_459, %get3A_511 : vector<16xf32>
      %add3A_513 = arith.addf %add3A_413, %mul3A_512 : vector<16xf32>
      %get3A_514 = arith.constant 9 : i32
      %get3A_515 = arith.index_cast %get3A_514 : i32 to index
      %get3A_516 = arith.constant 64 : index
      %get3A_517 = tpu.vector_load %arg11[%get3A_515, %get3A_516] {strides = array<i32>} : memref<16x256xf32, #tpu.memory_space<vmem>>, vector<16xf32>,
      %mul3A_518 = arith.mulf %gather3A_459, %get3A_517 : vector<16xf32>
      %add3A_519 = arith.addf %add3A_419, %mul3A_518 : vector<16xf32>
      %get3A_520 = arith.constant 10 : i32
      %get3A_521 = arith.index_cast %get3A_520 : i32 to index
      %get3A_522 = arith.constant 64 : index
      %get3A_523 = tpu.vector_load %arg11[%get3A_521, %get3A_522] {strides = array<i32>} : memref<16x256xf32, #tpu.memory_space<vmem>>, vector<16xf32>,
      %mul3A_524 = arith.mulf %gather3A_459, %get3A_523 : vector<16xf32>
      %add3A_525 = arith.addf %add3A_425, %mul3A_524 : vector<16xf32>
      %get3A_526 = arith.constant 11 : i32
      %get3A_527 = arith.index_cast %get3A_526 : i32 to index
      %get3A_528 = arith.constant 64 : index
      %get3A_529 = tpu.vector_load %arg11[%get3A_527, %get3A_528] {strides = array<i32>} : memref<16x256xf32, #tpu.memory_space<vmem>>, vector<16xf32>,
      %mul3A_530 = arith.mulf %gather3A_459, %get3A_529 : vector<16xf32>
      %add3A_531 = arith.addf %add3A_431, %mul3A_530 : vector<16xf32>
      %get3A_532 = arith.constant 12 : i32
      %get3A_533 = arith.index_cast %get3A_532 : i32 to index
      %get3A_534 = arith.constant 64 : index
      %get3A_535 = tpu.vector_load %arg11[%get3A_533, %get3A_534] {strides = array<i32>} : memref<16x256xf32, #tpu.memory_space<vmem>>, vector<16xf32>,
      %mul3A_536 = arith.mulf %gather3A_459, %get3A_535 : vector<16xf32>
      %add3A_537 = arith.addf %add3A_437, %mul3A_536 : vector<16xf32>
      %get3A_538 = arith.constant 13 : i32
      %get3A_539 = arith.index_cast %get3A_538 : i32 to index
      %get3A_540 = arith.constant 64 : index
      %get3A_541 = tpu.vector_load %arg11[%get3A_539, %get3A_540] {strides = array<i32>} : memref<16x256xf32, #tpu.memory_space<vmem>>, vector<16xf32>,
      %mul3A_542 = arith.mulf %gather3A_459, %get3A_541 : vector<16xf32>
      %add3A_543 = arith.addf %add3A_443, %mul3A_542 : vector<16xf32>
      %get3A_544 = arith.constant 14 : i32
      %get3A_545 = arith.index_cast %get3A_544 : i32 to index
      %get3A_546 = arith.constant 64 : index
      %get3A_547 = tpu.vector_load %arg11[%get3A_545, %get3A_546] {strides = array<i32>} : memref<16x256xf32, #tpu.memory_space<vmem>>, vector<16xf32>,
      %mul3A_548 = arith.mulf %gather3A_459, %get3A_547 : vector<16xf32>
      %add3A_549 = arith.addf %add3A_449, %mul3A_548 : vector<16xf32>
      %get3A_550 = arith.constant 15 : i32
      %get3A_551 = arith.index_cast %get3A_550 : i32 to index
      %get3A_552 = arith.constant 64 : index
      %get3A_553 = tpu.vector_load %arg11[%get3A_551, %get3A_552] {strides = array<i32>} : memref<16x256xf32, #tpu.memory_space<vmem>>, vector<16xf32>,
      %mul3A_554 = arith.mulf %gather3A_459, %get3A_553 : vector<16xf32>
      %add3A_555 = arith.addf %add3A_455, %mul3A_554 : vector<16xf32>
      %add3A_556 = arith.constant 80 : i32
      %add3A_557 = vector.broadcast %add3A_556 : i32 to vector<16xi32>
      %add3A_558 = arith.addi %add3A, %add3A_557 : vector<16xi32>
      %gather3A_559 = tpu.vector_load_idx %arg9[%add3A_558] : memref<8192xf32, #tpu.memory_space<vmem>>[vector<16xi32>], vector<16xf32>,
      %get3A_560 = arith.constant 0 : i32
      %get3A_561 = arith.index_cast %get3A_560 : i32 to index
      %get3A_562 = arith.constant 80 : index
      %get3A_563 = tpu.vector_load %arg11[%get3A_561, %get3A_562] {strides = array<i32>} : memref<16x256xf32, #tpu.memory_space<vmem>>, vector<16xf32>,
      %mul3A_564 = arith.mulf %gather3A_559, %get3A_563 : vector<16xf32>
      %add3A_565 = arith.addf %add3A_465, %mul3A_564 : vector<16xf32>
      %get3A_566 = arith.constant 1 : i32
      %get3A_567 = arith.index_cast %get3A_566 : i32 to index
      %get3A_568 = arith.constant 80 : index
      %get3A_569 = tpu.vector_load %arg11[%get3A_567, %get3A_568] {strides = array<i32>} : memref<16x256xf32, #tpu.memory_space<vmem>>, vector<16xf32>,
      %mul3A_570 = arith.mulf %gather3A_559, %get3A_569 : vector<16xf32>
      %add3A_571 = arith.addf %add3A_471, %mul3A_570 : vector<16xf32>
      %get3A_572 = arith.constant 2 : i32
      %get3A_573 = arith.index_cast %get3A_572 : i32 to index
      %get3A_574 = arith.constant 80 : index
      %get3A_575 = tpu.vector_load %arg11[%get3A_573, %get3A_574] {strides = array<i32>} : memref<16x256xf32, #tpu.memory_space<vmem>>, vector<16xf32>,
      %mul3A_576 = arith.mulf %gather3A_559, %get3A_575 : vector<16xf32>
      %add3A_577 = arith.addf %add3A_477, %mul3A_576 : vector<16xf32>
      %get3A_578 = arith.constant 3 : i32
      %get3A_579 = arith.index_cast %get3A_578 : i32 to index
      %get3A_580 = arith.constant 80 : index
      %get3A_581 = tpu.vector_load %arg11[%get3A_579, %get3A_580] {strides = array<i32>} : memref<16x256xf32, #tpu.memory_space<vmem>>, vector<16xf32>,
      %mul3A_582 = arith.mulf %gather3A_559, %get3A_581 : vector<16xf32>
      %add3A_583 = arith.addf %add3A_483, %mul3A_582 : vector<16xf32>
      %get3A_584 = arith.constant 4 : i32
      %get3A_585 = arith.index_cast %get3A_584 : i32 to index
      %get3A_586 = arith.constant 80 : index
      %get3A_587 = tpu.vector_load %arg11[%get3A_585, %get3A_586] {strides = array<i32>} : memref<16x256xf32, #tpu.memory_space<vmem>>, vector<16xf32>,
      %mul3A_588 = arith.mulf %gather3A_559, %get3A_587 : vector<16xf32>
      %add3A_589 = arith.addf %add3A_489, %mul3A_588 : vector<16xf32>
      %get3A_590 = arith.constant 5 : i32
      %get3A_591 = arith.index_cast %get3A_590 : i32 to index
      %get3A_592 = arith.constant 80 : index
      %get3A_593 = tpu.vector_load %arg11[%get3A_591, %get3A_592] {strides = array<i32>} : memref<16x256xf32, #tpu.memory_space<vmem>>, vector<16xf32>,
      %mul3A_594 = arith.mulf %gather3A_559, %get3A_593 : vector<16xf32>
      %add3A_595 = arith.addf %add3A_495, %mul3A_594 : vector<16xf32>
      %get3A_596 = arith.constant 6 : i32
      %get3A_597 = arith.index_cast %get3A_596 : i32 to index
      %get3A_598 = arith.constant 80 : index
      %get3A_599 = tpu.vector_load %arg11[%get3A_597, %get3A_598] {strides = array<i32>} : memref<16x256xf32, #tpu.memory_space<vmem>>, vector<16xf32>,
      %mul3A_600 = arith.mulf %gather3A_559, %get3A_599 : vector<16xf32>
      %add3A_601 = arith.addf %add3A_501, %mul3A_600 : vector<16xf32>
      %get3A_602 = arith.constant 7 : i32
      %get3A_603 = arith.index_cast %get3A_602 : i32 to index
      %get3A_604 = arith.constant 80 : index
      %get3A_605 = tpu.vector_load %arg11[%get3A_603, %get3A_604] {strides = array<i32>} : memref<16x256xf32, #tpu.memory_space<vmem>>, vector<16xf32>,
      %mul3A_606 = arith.mulf %gather3A_559, %get3A_605 : vector<16xf32>
      %add3A_607 = arith.addf %add3A_507, %mul3A_606 : vector<16xf32>
      %get3A_608 = arith.constant 8 : i32
      %get3A_609 = arith.index_cast %get3A_608 : i32 to index
      %get3A_610 = arith.constant 80 : index
      %get3A_611 = tpu.vector_load %arg11[%get3A_609, %get3A_610] {strides = array<i32>} : memref<16x256xf32, #tpu.memory_space<vmem>>, vector<16xf32>,
      %mul3A_612 = arith.mulf %gather3A_559, %get3A_611 : vector<16xf32>
      %add3A_613 = arith.addf %add3A_513, %mul3A_612 : vector<16xf32>
      %get3A_614 = arith.constant 9 : i32
      %get3A_615 = arith.index_cast %get3A_614 : i32 to index
      %get3A_616 = arith.constant 80 : index
      %get3A_617 = tpu.vector_load %arg11[%get3A_615, %get3A_616] {strides = array<i32>} : memref<16x256xf32, #tpu.memory_space<vmem>>, vector<16xf32>,
      %mul3A_618 = arith.mulf %gather3A_559, %get3A_617 : vector<16xf32>
      %add3A_619 = arith.addf %add3A_519, %mul3A_618 : vector<16xf32>
      %get3A_620 = arith.constant 10 : i32
      %get3A_621 = arith.index_cast %get3A_620 : i32 to index
      %get3A_622 = arith.constant 80 : index
      %get3A_623 = tpu.vector_load %arg11[%get3A_621, %get3A_622] {strides = array<i32>} : memref<16x256xf32, #tpu.memory_space<vmem>>, vector<16xf32>,
      %mul3A_624 = arith.mulf %gather3A_559, %get3A_623 : vector<16xf32>
      %add3A_625 = arith.addf %add3A_525, %mul3A_624 : vector<16xf32>
      %get3A_626 = arith.constant 11 : i32
      %get3A_627 = arith.index_cast %get3A_626 : i32 to index
      %get3A_628 = arith.constant 80 : index
      %get3A_629 = tpu.vector_load %arg11[%get3A_627, %get3A_628] {strides = array<i32>} : memref<16x256xf32, #tpu.memory_space<vmem>>, vector<16xf32>,
      %mul3A_630 = arith.mulf %gather3A_559, %get3A_629 : vector<16xf32>
      %add3A_631 = arith.addf %add3A_531, %mul3A_630 : vector<16xf32>
      %get3A_632 = arith.constant 12 : i32
      %get3A_633 = arith.index_cast %get3A_632 : i32 to index
      %get3A_634 = arith.constant 80 : index
      %get3A_635 = tpu.vector_load %arg11[%get3A_633, %get3A_634] {strides = array<i32>} : memref<16x256xf32, #tpu.memory_space<vmem>>, vector<16xf32>,
      %mul3A_636 = arith.mulf %gather3A_559, %get3A_635 : vector<16xf32>
      %add3A_637 = arith.addf %add3A_537, %mul3A_636 : vector<16xf32>
      %get3A_638 = arith.constant 13 : i32
      %get3A_639 = arith.index_cast %get3A_638 : i32 to index
      %get3A_640 = arith.constant 80 : index
      %get3A_641 = tpu.vector_load %arg11[%get3A_639, %get3A_640] {strides = array<i32>} : memref<16x256xf32, #tpu.memory_space<vmem>>, vector<16xf32>,
      %mul3A_642 = arith.mulf %gather3A_559, %get3A_641 : vector<16xf32>
      %add3A_643 = arith.addf %add3A_543, %mul3A_642 : vector<16xf32>
      %get3A_644 = arith.constant 14 : i32
      %get3A_645 = arith.index_cast %get3A_644 : i32 to index
      %get3A_646 = arith.constant 80 : index
      %get3A_647 = tpu.vector_load %arg11[%get3A_645, %get3A_646] {strides = array<i32>} : memref<16x256xf32, #tpu.memory_space<vmem>>, vector<16xf32>,
      %mul3A_648 = arith.mulf %gather3A_559, %get3A_647 : vector<16xf32>
      %add3A_649 = arith.addf %add3A_549, %mul3A_648 : vector<16xf32>
      %get3A_650 = arith.constant 15 : i32
      %get3A_651 = arith.index_cast %get3A_650 : i32 to index
      %get3A_652 = arith.constant 80 : index
      %get3A_653 = tpu.vector_load %arg11[%get3A_651, %get3A_652] {strides = array<i32>} : memref<16x256xf32, #tpu.memory_space<vmem>>, vector<16xf32>,
      %mul3A_654 = arith.mulf %gather3A_559, %get3A_653 : vector<16xf32>
      %add3A_655 = arith.addf %add3A_555, %mul3A_654 : vector<16xf32>
      %add3A_656 = arith.constant 96 : i32
      %add3A_657 = vector.broadcast %add3A_656 : i32 to vector<16xi32>
      %add3A_658 = arith.addi %add3A, %add3A_657 : vector<16xi32>
      %gather3A_659 = tpu.vector_load_idx %arg9[%add3A_658] : memref<8192xf32, #tpu.memory_space<vmem>>[vector<16xi32>], vector<16xf32>,
      %get3A_660 = arith.constant 0 : i32
      %get3A_661 = arith.index_cast %get3A_660 : i32 to index
      %get3A_662 = arith.constant 96 : index
      %get3A_663 = tpu.vector_load %arg11[%get3A_661, %get3A_662] {strides = array<i32>} : memref<16x256xf32, #tpu.memory_space<vmem>>, vector<16xf32>,
      %mul3A_664 = arith.mulf %gather3A_659, %get3A_663 : vector<16xf32>
      %add3A_665 = arith.addf %add3A_565, %mul3A_664 : vector<16xf32>
      %get3A_666 = arith.constant 1 : i32
      %get3A_667 = arith.index_cast %get3A_666 : i32 to index
      %get3A_668 = arith.constant 96 : index
      %get3A_669 = tpu.vector_load %arg11[%get3A_667, %get3A_668] {strides = array<i32>} : memref<16x256xf32, #tpu.memory_space<vmem>>, vector<16xf32>,
      %mul3A_670 = arith.mulf %gather3A_659, %get3A_669 : vector<16xf32>
      %add3A_671 = arith.addf %add3A_571, %mul3A_670 : vector<16xf32>
      %get3A_672 = arith.constant 2 : i32
      %get3A_673 = arith.index_cast %get3A_672 : i32 to index
      %get3A_674 = arith.constant 96 : index
      %get3A_675 = tpu.vector_load %arg11[%get3A_673, %get3A_674] {strides = array<i32>} : memref<16x256xf32, #tpu.memory_space<vmem>>, vector<16xf32>,
      %mul3A_676 = arith.mulf %gather3A_659, %get3A_675 : vector<16xf32>
      %add3A_677 = arith.addf %add3A_577, %mul3A_676 : vector<16xf32>
      %get3A_678 = arith.constant 3 : i32
      %get3A_679 = arith.index_cast %get3A_678 : i32 to index
      %get3A_680 = arith.constant 96 : index
      %get3A_681 = tpu.vector_load %arg11[%get3A_679, %get3A_680] {strides = array<i32>} : memref<16x256xf32, #tpu.memory_space<vmem>>, vector<16xf32>,
      %mul3A_682 = arith.mulf %gather3A_659, %get3A_681 : vector<16xf32>
      %add3A_683 = arith.addf %add3A_583, %mul3A_682 : vector<16xf32>
      %get3A_684 = arith.constant 4 : i32
      %get3A_685 = arith.index_cast %get3A_684 : i32 to index
      %get3A_686 = arith.constant 96 : index
      %get3A_687 = tpu.vector_load %arg11[%get3A_685, %get3A_686] {strides = array<i32>} : memref<16x256xf32, #tpu.memory_space<vmem>>, vector<16xf32>,
      %mul3A_688 = arith.mulf %gather3A_659, %get3A_687 : vector<16xf32>
      %add3A_689 = arith.addf %add3A_589, %mul3A_688 : vector<16xf32>
      %get3A_690 = arith.constant 5 : i32
      %get3A_691 = arith.index_cast %get3A_690 : i32 to index
      %get3A_692 = arith.constant 96 : index
      %get3A_693 = tpu.vector_load %arg11[%get3A_691, %get3A_692] {strides = array<i32>} : memref<16x256xf32, #tpu.memory_space<vmem>>, vector<16xf32>,
      %mul3A_694 = arith.mulf %gather3A_659, %get3A_693 : vector<16xf32>
      %add3A_695 = arith.addf %add3A_595, %mul3A_694 : vector<16xf32>
      %get3A_696 = arith.constant 6 : i32
      %get3A_697 = arith.index_cast %get3A_696 : i32 to index
      %get3A_698 = arith.constant 96 : index
      %get3A_699 = tpu.vector_load %arg11[%get3A_697, %get3A_698] {strides = array<i32>} : memref<16x256xf32, #tpu.memory_space<vmem>>, vector<16xf32>,
      %mul3A_700 = arith.mulf %gather3A_659, %get3A_699 : vector<16xf32>
      %add3A_701 = arith.addf %add3A_601, %mul3A_700 : vector<16xf32>
      %get3A_702 = arith.constant 7 : i32
      %get3A_703 = arith.index_cast %get3A_702 : i32 to index
      %get3A_704 = arith.constant 96 : index
      %get3A_705 = tpu.vector_load %arg11[%get3A_703, %get3A_704] {strides = array<i32>} : memref<16x256xf32, #tpu.memory_space<vmem>>, vector<16xf32>,
      %mul3A_706 = arith.mulf %gather3A_659, %get3A_705 : vector<16xf32>
      %add3A_707 = arith.addf %add3A_607, %mul3A_706 : vector<16xf32>
      %get3A_708 = arith.constant 8 : i32
      %get3A_709 = arith.index_cast %get3A_708 : i32 to index
      %get3A_710 = arith.constant 96 : index
      %get3A_711 = tpu.vector_load %arg11[%get3A_709, %get3A_710] {strides = array<i32>} : memref<16x256xf32, #tpu.memory_space<vmem>>, vector<16xf32>,
      %mul3A_712 = arith.mulf %gather3A_659, %get3A_711 : vector<16xf32>
      %add3A_713 = arith.addf %add3A_613, %mul3A_712 : vector<16xf32>
      %get3A_714 = arith.constant 9 : i32
      %get3A_715 = arith.index_cast %get3A_714 : i32 to index
      %get3A_716 = arith.constant 96 : index
      %get3A_717 = tpu.vector_load %arg11[%get3A_715, %get3A_716] {strides = array<i32>} : memref<16x256xf32, #tpu.memory_space<vmem>>, vector<16xf32>,
      %mul3A_718 = arith.mulf %gather3A_659, %get3A_717 : vector<16xf32>
      %add3A_719 = arith.addf %add3A_619, %mul3A_718 : vector<16xf32>
      %get3A_720 = arith.constant 10 : i32
      %get3A_721 = arith.index_cast %get3A_720 : i32 to index
      %get3A_722 = arith.constant 96 : index
      %get3A_723 = tpu.vector_load %arg11[%get3A_721, %get3A_722] {strides = array<i32>} : memref<16x256xf32, #tpu.memory_space<vmem>>, vector<16xf32>,
      %mul3A_724 = arith.mulf %gather3A_659, %get3A_723 : vector<16xf32>
      %add3A_725 = arith.addf %add3A_625, %mul3A_724 : vector<16xf32>
      %get3A_726 = arith.constant 11 : i32
      %get3A_727 = arith.index_cast %get3A_726 : i32 to index
      %get3A_728 = arith.constant 96 : index
      %get3A_729 = tpu.vector_load %arg11[%get3A_727, %get3A_728] {strides = array<i32>} : memref<16x256xf32, #tpu.memory_space<vmem>>, vector<16xf32>,
      %mul3A_730 = arith.mulf %gather3A_659, %get3A_729 : vector<16xf32>
      %add3A_731 = arith.addf %add3A_631, %mul3A_730 : vector<16xf32>
      %get3A_732 = arith.constant 12 : i32
      %get3A_733 = arith.index_cast %get3A_732 : i32 to index
      %get3A_734 = arith.constant 96 : index
      %get3A_735 = tpu.vector_load %arg11[%get3A_733, %get3A_734] {strides = array<i32>} : memref<16x256xf32, #tpu.memory_space<vmem>>, vector<16xf32>,
      %mul3A_736 = arith.mulf %gather3A_659, %get3A_735 : vector<16xf32>
      %add3A_737 = arith.addf %add3A_637, %mul3A_736 : vector<16xf32>
      %get3A_738 = arith.constant 13 : i32
      %get3A_739 = arith.index_cast %get3A_738 : i32 to index
      %get3A_740 = arith.constant 96 : index
      %get3A_741 = tpu.vector_load %arg11[%get3A_739, %get3A_740] {strides = array<i32>} : memref<16x256xf32, #tpu.memory_space<vmem>>, vector<16xf32>,
      %mul3A_742 = arith.mulf %gather3A_659, %get3A_741 : vector<16xf32>
      %add3A_743 = arith.addf %add3A_643, %mul3A_742 : vector<16xf32>
      %get3A_744 = arith.constant 14 : i32
      %get3A_745 = arith.index_cast %get3A_744 : i32 to index
      %get3A_746 = arith.constant 96 : index
      %get3A_747 = tpu.vector_load %arg11[%get3A_745, %get3A_746] {strides = array<i32>} : memref<16x256xf32, #tpu.memory_space<vmem>>, vector<16xf32>,
      %mul3A_748 = arith.mulf %gather3A_659, %get3A_747 : vector<16xf32>
      %add3A_749 = arith.addf %add3A_649, %mul3A_748 : vector<16xf32>
      %get3A_750 = arith.constant 15 : i32
      %get3A_751 = arith.index_cast %get3A_750 : i32 to index
      %get3A_752 = arith.constant 96 : index
      %get3A_753 = tpu.vector_load %arg11[%get3A_751, %get3A_752] {strides = array<i32>} : memref<16x256xf32, #tpu.memory_space<vmem>>, vector<16xf32>,
      %mul3A_754 = arith.mulf %gather3A_659, %get3A_753 : vector<16xf32>
      %add3A_755 = arith.addf %add3A_655, %mul3A_754 : vector<16xf32>
      %add3A_756 = arith.constant 112 : i32
      %add3A_757 = vector.broadcast %add3A_756 : i32 to vector<16xi32>
      %add3A_758 = arith.addi %add3A, %add3A_757 : vector<16xi32>
      %gather3A_759 = tpu.vector_load_idx %arg9[%add3A_758] : memref<8192xf32, #tpu.memory_space<vmem>>[vector<16xi32>], vector<16xf32>,
      %get3A_760 = arith.constant 0 : i32
      %get3A_761 = arith.index_cast %get3A_760 : i32 to index
      %get3A_762 = arith.constant 112 : index
      %get3A_763 = tpu.vector_load %arg11[%get3A_761, %get3A_762] {strides = array<i32>} : memref<16x256xf32, #tpu.memory_space<vmem>>, vector<16xf32>,
      %mul3A_764 = arith.mulf %gather3A_759, %get3A_763 : vector<16xf32>
      %add3A_765 = arith.addf %add3A_665, %mul3A_764 : vector<16xf32>
      %get3A_766 = arith.constant 1 : i32
      %get3A_767 = arith.index_cast %get3A_766 : i32 to index
      %get3A_768 = arith.constant 112 : index
      %get3A_769 = tpu.vector_load %arg11[%get3A_767, %get3A_768] {strides = array<i32>} : memref<16x256xf32, #tpu.memory_space<vmem>>, vector<16xf32>,
      %mul3A_770 = arith.mulf %gather3A_759, %get3A_769 : vector<16xf32>
      %add3A_771 = arith.addf %add3A_671, %mul3A_770 : vector<16xf32>
      %get3A_772 = arith.constant 2 : i32
      %get3A_773 = arith.index_cast %get3A_772 : i32 to index
      %get3A_774 = arith.constant 112 : index
      %get3A_775 = tpu.vector_load %arg11[%get3A_773, %get3A_774] {strides = array<i32>} : memref<16x256xf32, #tpu.memory_space<vmem>>, vector<16xf32>,
      %mul3A_776 = arith.mulf %gather3A_759, %get3A_775 : vector<16xf32>
      %add3A_777 = arith.addf %add3A_677, %mul3A_776 : vector<16xf32>
      %get3A_778 = arith.constant 3 : i32
      %get3A_779 = arith.index_cast %get3A_778 : i32 to index
      %get3A_780 = arith.constant 112 : index
      %get3A_781 = tpu.vector_load %arg11[%get3A_779, %get3A_780] {strides = array<i32>} : memref<16x256xf32, #tpu.memory_space<vmem>>, vector<16xf32>,
      %mul3A_782 = arith.mulf %gather3A_759, %get3A_781 : vector<16xf32>
      %add3A_783 = arith.addf %add3A_683, %mul3A_782 : vector<16xf32>
      %get3A_784 = arith.constant 4 : i32
      %get3A_785 = arith.index_cast %get3A_784 : i32 to index
      %get3A_786 = arith.constant 112 : index
      %get3A_787 = tpu.vector_load %arg11[%get3A_785, %get3A_786] {strides = array<i32>} : memref<16x256xf32, #tpu.memory_space<vmem>>, vector<16xf32>,
      %mul3A_788 = arith.mulf %gather3A_759, %get3A_787 : vector<16xf32>
      %add3A_789 = arith.addf %add3A_689, %mul3A_788 : vector<16xf32>
      %get3A_790 = arith.constant 5 : i32
      %get3A_791 = arith.index_cast %get3A_790 : i32 to index
      %get3A_792 = arith.constant 112 : index
      %get3A_793 = tpu.vector_load %arg11[%get3A_791, %get3A_792] {strides = array<i32>} : memref<16x256xf32, #tpu.memory_space<vmem>>, vector<16xf32>,
      %mul3A_794 = arith.mulf %gather3A_759, %get3A_793 : vector<16xf32>
      %add3A_795 = arith.addf %add3A_695, %mul3A_794 : vector<16xf32>
      %get3A_796 = arith.constant 6 : i32
      %get3A_797 = arith.index_cast %get3A_796 : i32 to index
      %get3A_798 = arith.constant 112 : index
      %get3A_799 = tpu.vector_load %arg11[%get3A_797, %get3A_798] {strides = array<i32>} : memref<16x256xf32, #tpu.memory_space<vmem>>, vector<16xf32>,
      %mul3A_800 = arith.mulf %gather3A_759, %get3A_799 : vector<16xf32>
      %add3A_801 = arith.addf %add3A_701, %mul3A_800 : vector<16xf32>
      %get3A_802 = arith.constant 7 : i32
      %get3A_803 = arith.index_cast %get3A_802 : i32 to index
      %get3A_804 = arith.constant 112 : index
      %get3A_805 = tpu.vector_load %arg11[%get3A_803, %get3A_804] {strides = array<i32>} : memref<16x256xf32, #tpu.memory_space<vmem>>, vector<16xf32>,
      %mul3A_806 = arith.mulf %gather3A_759, %get3A_805 : vector<16xf32>
      %add3A_807 = arith.addf %add3A_707, %mul3A_806 : vector<16xf32>
      %get3A_808 = arith.constant 8 : i32
      %get3A_809 = arith.index_cast %get3A_808 : i32 to index
      %get3A_810 = arith.constant 112 : index
      %get3A_811 = tpu.vector_load %arg11[%get3A_809, %get3A_810] {strides = array<i32>} : memref<16x256xf32, #tpu.memory_space<vmem>>, vector<16xf32>,
      %mul3A_812 = arith.mulf %gather3A_759, %get3A_811 : vector<16xf32>
      %add3A_813 = arith.addf %add3A_713, %mul3A_812 : vector<16xf32>
      %get3A_814 = arith.constant 9 : i32
      %get3A_815 = arith.index_cast %get3A_814 : i32 to index
      %get3A_816 = arith.constant 112 : index
      %get3A_817 = tpu.vector_load %arg11[%get3A_815, %get3A_816] {strides = array<i32>} : memref<16x256xf32, #tpu.memory_space<vmem>>, vector<16xf32>,
      %mul3A_818 = arith.mulf %gather3A_759, %get3A_817 : vector<16xf32>
      %add3A_819 = arith.addf %add3A_719, %mul3A_818 : vector<16xf32>
      %get3A_820 = arith.constant 10 : i32
      %get3A_821 = arith.index_cast %get3A_820 : i32 to index
      %get3A_822 = arith.constant 112 : index
      %get3A_823 = tpu.vector_load %arg11[%get3A_821, %get3A_822] {strides = array<i32>} : memref<16x256xf32, #tpu.memory_space<vmem>>, vector<16xf32>,
      %mul3A_824 = arith.mulf %gather3A_759, %get3A_823 : vector<16xf32>
      %add3A_825 = arith.addf %add3A_725, %mul3A_824 : vector<16xf32>
      %get3A_826 = arith.constant 11 : i32
      %get3A_827 = arith.index_cast %get3A_826 : i32 to index
      %get3A_828 = arith.constant 112 : index
      %get3A_829 = tpu.vector_load %arg11[%get3A_827, %get3A_828] {strides = array<i32>} : memref<16x256xf32, #tpu.memory_space<vmem>>, vector<16xf32>,
      %mul3A_830 = arith.mulf %gather3A_759, %get3A_829 : vector<16xf32>
      %add3A_831 = arith.addf %add3A_731, %mul3A_830 : vector<16xf32>
      %get3A_832 = arith.constant 12 : i32
      %get3A_833 = arith.index_cast %get3A_832 : i32 to index
      %get3A_834 = arith.constant 112 : index
      %get3A_835 = tpu.vector_load %arg11[%get3A_833, %get3A_834] {strides = array<i32>} : memref<16x256xf32, #tpu.memory_space<vmem>>, vector<16xf32>,
      %mul3A_836 = arith.mulf %gather3A_759, %get3A_835 : vector<16xf32>
      %add3A_837 = arith.addf %add3A_737, %mul3A_836 : vector<16xf32>
      %get3A_838 = arith.constant 13 : i32
      %get3A_839 = arith.index_cast %get3A_838 : i32 to index
      %get3A_840 = arith.constant 112 : index
      %get3A_841 = tpu.vector_load %arg11[%get3A_839, %get3A_840] {strides = array<i32>} : memref<16x256xf32, #tpu.memory_space<vmem>>, vector<16xf32>,
      %mul3A_842 = arith.mulf %gather3A_759, %get3A_841 : vector<16xf32>
      %add3A_843 = arith.addf %add3A_743, %mul3A_842 : vector<16xf32>
      %get3A_844 = arith.constant 14 : i32
      %get3A_845 = arith.index_cast %get3A_844 : i32 to index
      %get3A_846 = arith.constant 112 : index
      %get3A_847 = tpu.vector_load %arg11[%get3A_845, %get3A_846] {strides = array<i32>} : memref<16x256xf32, #tpu.memory_space<vmem>>, vector<16xf32>,
      %mul3A_848 = arith.mulf %gather3A_759, %get3A_847 : vector<16xf32>
      %add3A_849 = arith.addf %add3A_749, %mul3A_848 : vector<16xf32>
      %get3A_850 = arith.constant 15 : i32
      %get3A_851 = arith.index_cast %get3A_850 : i32 to index
      %get3A_852 = arith.constant 112 : index
      %get3A_853 = tpu.vector_load %arg11[%get3A_851, %get3A_852] {strides = array<i32>} : memref<16x256xf32, #tpu.memory_space<vmem>>, vector<16xf32>,
      %mul3A_854 = arith.mulf %gather3A_759, %get3A_853 : vector<16xf32>
      %add3A_855 = arith.addf %add3A_755, %mul3A_854 : vector<16xf32>
      %add3A_856 = arith.constant 0 : i32
      %add3A_857 = vector.broadcast %add3A_856 : i32 to vector<16xi32>
      %add3A_858 = arith.addi %add3A_25, %add3A_857 : vector<16xi32>
      %gather3A_859 = tpu.vector_load_idx %arg10[%add3A_858] : memref<2048xf32, #tpu.memory_space<vmem>>[vector<16xi32>], vector<16xf32>,
      %get3A_860 = arith.constant 0 : i32
      %get3A_861 = arith.index_cast %get3A_860 : i32 to index
      %get3A_862 = arith.constant 128 : index
      %get3A_863 = tpu.vector_load %arg11[%get3A_861, %get3A_862] {strides = array<i32>} : memref<16x256xf32, #tpu.memory_space<vmem>>, vector<16xf32>,
      %mul3A_864 = arith.mulf %gather3A_859, %get3A_863 : vector<16xf32>
      %add3A_865 = arith.addf %add3A_765, %mul3A_864 : vector<16xf32>
      %get3A_866 = arith.constant 1 : i32
      %get3A_867 = arith.index_cast %get3A_866 : i32 to index
      %get3A_868 = arith.constant 128 : index
      %get3A_869 = tpu.vector_load %arg11[%get3A_867, %get3A_868] {strides = array<i32>} : memref<16x256xf32, #tpu.memory_space<vmem>>, vector<16xf32>,
      %mul3A_870 = arith.mulf %gather3A_859, %get3A_869 : vector<16xf32>
      %add3A_871 = arith.addf %add3A_771, %mul3A_870 : vector<16xf32>
      %get3A_872 = arith.constant 2 : i32
      %get3A_873 = arith.index_cast %get3A_872 : i32 to index
      %get3A_874 = arith.constant 128 : index
      %get3A_875 = tpu.vector_load %arg11[%get3A_873, %get3A_874] {strides = array<i32>} : memref<16x256xf32, #tpu.memory_space<vmem>>, vector<16xf32>,
      %mul3A_876 = arith.mulf %gather3A_859, %get3A_875 : vector<16xf32>
      %add3A_877 = arith.addf %add3A_777, %mul3A_876 : vector<16xf32>
      %get3A_878 = arith.constant 3 : i32
      %get3A_879 = arith.index_cast %get3A_878 : i32 to index
      %get3A_880 = arith.constant 128 : index
      %get3A_881 = tpu.vector_load %arg11[%get3A_879, %get3A_880] {strides = array<i32>} : memref<16x256xf32, #tpu.memory_space<vmem>>, vector<16xf32>,
      %mul3A_882 = arith.mulf %gather3A_859, %get3A_881 : vector<16xf32>
      %add3A_883 = arith.addf %add3A_783, %mul3A_882 : vector<16xf32>
      %get3A_884 = arith.constant 4 : i32
      %get3A_885 = arith.index_cast %get3A_884 : i32 to index
      %get3A_886 = arith.constant 128 : index
      %get3A_887 = tpu.vector_load %arg11[%get3A_885, %get3A_886] {strides = array<i32>} : memref<16x256xf32, #tpu.memory_space<vmem>>, vector<16xf32>,
      %mul3A_888 = arith.mulf %gather3A_859, %get3A_887 : vector<16xf32>
      %add3A_889 = arith.addf %add3A_789, %mul3A_888 : vector<16xf32>
      %get3A_890 = arith.constant 5 : i32
      %get3A_891 = arith.index_cast %get3A_890 : i32 to index
      %get3A_892 = arith.constant 128 : index
      %get3A_893 = tpu.vector_load %arg11[%get3A_891, %get3A_892] {strides = array<i32>} : memref<16x256xf32, #tpu.memory_space<vmem>>, vector<16xf32>,
      %mul3A_894 = arith.mulf %gather3A_859, %get3A_893 : vector<16xf32>
      %add3A_895 = arith.addf %add3A_795, %mul3A_894 : vector<16xf32>
      %get3A_896 = arith.constant 6 : i32
      %get3A_897 = arith.index_cast %get3A_896 : i32 to index
      %get3A_898 = arith.constant 128 : index
      %get3A_899 = tpu.vector_load %arg11[%get3A_897, %get3A_898] {strides = array<i32>} : memref<16x256xf32, #tpu.memory_space<vmem>>, vector<16xf32>,
      %mul3A_900 = arith.mulf %gather3A_859, %get3A_899 : vector<16xf32>
      %add3A_901 = arith.addf %add3A_801, %mul3A_900 : vector<16xf32>
      %get3A_902 = arith.constant 7 : i32
      %get3A_903 = arith.index_cast %get3A_902 : i32 to index
      %get3A_904 = arith.constant 128 : index
      %get3A_905 = tpu.vector_load %arg11[%get3A_903, %get3A_904] {strides = array<i32>} : memref<16x256xf32, #tpu.memory_space<vmem>>, vector<16xf32>,
      %mul3A_906 = arith.mulf %gather3A_859, %get3A_905 : vector<16xf32>
      %add3A_907 = arith.addf %add3A_807, %mul3A_906 : vector<16xf32>
      %get3A_908 = arith.constant 8 : i32
      %get3A_909 = arith.index_cast %get3A_908 : i32 to index
      %get3A_910 = arith.constant 128 : index
      %get3A_911 = tpu.vector_load %arg11[%get3A_909, %get3A_910] {strides = array<i32>} : memref<16x256xf32, #tpu.memory_space<vmem>>, vector<16xf32>,
      %mul3A_912 = arith.mulf %gather3A_859, %get3A_911 : vector<16xf32>
      %add3A_913 = arith.addf %add3A_813, %mul3A_912 : vector<16xf32>
      %get3A_914 = arith.constant 9 : i32
      %get3A_915 = arith.index_cast %get3A_914 : i32 to index
      %get3A_916 = arith.constant 128 : index
      %get3A_917 = tpu.vector_load %arg11[%get3A_915, %get3A_916] {strides = array<i32>} : memref<16x256xf32, #tpu.memory_space<vmem>>, vector<16xf32>,
      %mul3A_918 = arith.mulf %gather3A_859, %get3A_917 : vector<16xf32>
      %add3A_919 = arith.addf %add3A_819, %mul3A_918 : vector<16xf32>
      %get3A_920 = arith.constant 10 : i32
      %get3A_921 = arith.index_cast %get3A_920 : i32 to index
      %get3A_922 = arith.constant 128 : index
      %get3A_923 = tpu.vector_load %arg11[%get3A_921, %get3A_922] {strides = array<i32>} : memref<16x256xf32, #tpu.memory_space<vmem>>, vector<16xf32>,
      %mul3A_924 = arith.mulf %gather3A_859, %get3A_923 : vector<16xf32>
      %add3A_925 = arith.addf %add3A_825, %mul3A_924 : vector<16xf32>
      %get3A_926 = arith.constant 11 : i32
      %get3A_927 = arith.index_cast %get3A_926 : i32 to index
      %get3A_928 = arith.constant 128 : index
      %get3A_929 = tpu.vector_load %arg11[%get3A_927, %get3A_928] {strides = array<i32>} : memref<16x256xf32, #tpu.memory_space<vmem>>, vector<16xf32>,
      %mul3A_930 = arith.mulf %gather3A_859, %get3A_929 : vector<16xf32>
      %add3A_931 = arith.addf %add3A_831, %mul3A_930 : vector<16xf32>
      %get3A_932 = arith.constant 12 : i32
      %get3A_933 = arith.index_cast %get3A_932 : i32 to index
      %get3A_934 = arith.constant 128 : index
      %get3A_935 = tpu.vector_load %arg11[%get3A_933, %get3A_934] {strides = array<i32>} : memref<16x256xf32, #tpu.memory_space<vmem>>, vector<16xf32>,
      %mul3A_936 = arith.mulf %gather3A_859, %get3A_935 : vector<16xf32>
      %add3A_937 = arith.addf %add3A_837, %mul3A_936 : vector<16xf32>
      %get3A_938 = arith.constant 13 : i32
      %get3A_939 = arith.index_cast %get3A_938 : i32 to index
      %get3A_940 = arith.constant 128 : index
      %get3A_941 = tpu.vector_load %arg11[%get3A_939, %get3A_940] {strides = array<i32>} : memref<16x256xf32, #tpu.memory_space<vmem>>, vector<16xf32>,
      %mul3A_942 = arith.mulf %gather3A_859, %get3A_941 : vector<16xf32>
      %add3A_943 = arith.addf %add3A_843, %mul3A_942 : vector<16xf32>
      %get3A_944 = arith.constant 14 : i32
      %get3A_945 = arith.index_cast %get3A_944 : i32 to index
      %get3A_946 = arith.constant 128 : index
      %get3A_947 = tpu.vector_load %arg11[%get3A_945, %get3A_946] {strides = array<i32>} : memref<16x256xf32, #tpu.memory_space<vmem>>, vector<16xf32>,
      %mul3A_948 = arith.mulf %gather3A_859, %get3A_947 : vector<16xf32>
      %add3A_949 = arith.addf %add3A_849, %mul3A_948 : vector<16xf32>
      %get3A_950 = arith.constant 15 : i32
      %get3A_951 = arith.index_cast %get3A_950 : i32 to index
      %get3A_952 = arith.constant 128 : index
      %get3A_953 = tpu.vector_load %arg11[%get3A_951, %get3A_952] {strides = array<i32>} : memref<16x256xf32, #tpu.memory_space<vmem>>, vector<16xf32>,
      %mul3A_954 = arith.mulf %gather3A_859, %get3A_953 : vector<16xf32>
      %add3A_955 = arith.addf %add3A_855, %mul3A_954 : vector<16xf32>
      %add3A_956 = arith.constant 16 : i32
      %add3A_957 = vector.broadcast %add3A_956 : i32 to vector<16xi32>
      %add3A_958 = arith.addi %add3A_25, %add3A_957 : vector<16xi32>
      %gather3A_959 = tpu.vector_load_idx %arg10[%add3A_958] : memref<2048xf32, #tpu.memory_space<vmem>>[vector<16xi32>], vector<16xf32>,
      %get3A_960 = arith.constant 0 : i32
      %get3A_961 = arith.index_cast %get3A_960 : i32 to index
      %get3A_962 = arith.constant 144 : index
      %get3A_963 = tpu.vector_load %arg11[%get3A_961, %get3A_962] {strides = array<i32>} : memref<16x256xf32, #tpu.memory_space<vmem>>, vector<16xf32>,
      %mul3A_964 = arith.mulf %gather3A_959, %get3A_963 : vector<16xf32>
      %add3A_965 = arith.addf %add3A_865, %mul3A_964 : vector<16xf32>
      %get3A_966 = arith.constant 1 : i32
      %get3A_967 = arith.index_cast %get3A_966 : i32 to index
      %get3A_968 = arith.constant 144 : index
      %get3A_969 = tpu.vector_load %arg11[%get3A_967, %get3A_968] {strides = array<i32>} : memref<16x256xf32, #tpu.memory_space<vmem>>, vector<16xf32>,
      %mul3A_970 = arith.mulf %gather3A_959, %get3A_969 : vector<16xf32>
      %add3A_971 = arith.addf %add3A_871, %mul3A_970 : vector<16xf32>
      %get3A_972 = arith.constant 2 : i32
      %get3A_973 = arith.index_cast %get3A_972 : i32 to index
      %get3A_974 = arith.constant 144 : index
      %get3A_975 = tpu.vector_load %arg11[%get3A_973, %get3A_974] {strides = array<i32>} : memref<16x256xf32, #tpu.memory_space<vmem>>, vector<16xf32>,
      %mul3A_976 = arith.mulf %gather3A_959, %get3A_975 : vector<16xf32>
      %add3A_977 = arith.addf %add3A_877, %mul3A_976 : vector<16xf32>
      %get3A_978 = arith.constant 3 : i32
      %get3A_979 = arith.index_cast %get3A_978 : i32 to index
      %get3A_980 = arith.constant 144 : index
      %get3A_981 = tpu.vector_load %arg11[%get3A_979, %get3A_980] {strides = array<i32>} : memref<16x256xf32, #tpu.memory_space<vmem>>, vector<16xf32>,
      %mul3A_982 = arith.mulf %gather3A_959, %get3A_981 : vector<16xf32>
      %add3A_983 = arith.addf %add3A_883, %mul3A_982 : vector<16xf32>
      %get3A_984 = arith.constant 4 : i32
      %get3A_985 = arith.index_cast %get3A_984 : i32 to index
      %get3A_986 = arith.constant 144 : index
      %get3A_987 = tpu.vector_load %arg11[%get3A_985, %get3A_986] {strides = array<i32>} : memref<16x256xf32, #tpu.memory_space<vmem>>, vector<16xf32>,
      %mul3A_988 = arith.mulf %gather3A_959, %get3A_987 : vector<16xf32>
      %add3A_989 = arith.addf %add3A_889, %mul3A_988 : vector<16xf32>
      %get3A_990 = arith.constant 5 : i32
      %get3A_991 = arith.index_cast %get3A_990 : i32 to index
      %get3A_992 = arith.constant 144 : index
      %get3A_993 = tpu.vector_load %arg11[%get3A_991, %get3A_992] {strides = array<i32>} : memref<16x256xf32, #tpu.memory_space<vmem>>, vector<16xf32>,
      %mul3A_994 = arith.mulf %gather3A_959, %get3A_993 : vector<16xf32>
      %add3A_995 = arith.addf %add3A_895, %mul3A_994 : vector<16xf32>
      %get3A_996 = arith.constant 6 : i32
      %get3A_997 = arith.index_cast %get3A_996 : i32 to index
      %get3A_998 = arith.constant 144 : index
      %get3A_999 = tpu.vector_load %arg11[%get3A_997, %get3A_998] {strides = array<i32>} : memref<16x256xf32, #tpu.memory_space<vmem>>, vector<16xf32>,
      %mul3A_1000 = arith.mulf %gather3A_959, %get3A_999 : vector<16xf32>
      %add3A_1001 = arith.addf %add3A_901, %mul3A_1000 : vector<16xf32>
      %get3A_1002 = arith.constant 7 : i32
      %get3A_1003 = arith.index_cast %get3A_1002 : i32 to index
      %get3A_1004 = arith.constant 144 : index
      %get3A_1005 = tpu.vector_load %arg11[%get3A_1003, %get3A_1004] {strides = array<i32>} : memref<16x256xf32, #tpu.memory_space<vmem>>, vector<16xf32>,
      %mul3A_1006 = arith.mulf %gather3A_959, %get3A_1005 : vector<16xf32>
      %add3A_1007 = arith.addf %add3A_907, %mul3A_1006 : vector<16xf32>
      %get3A_1008 = arith.constant 8 : i32
      %get3A_1009 = arith.index_cast %get3A_1008 : i32 to index
      %get3A_1010 = arith.constant 144 : index
      %get3A_1011 = tpu.vector_load %arg11[%get3A_1009, %get3A_1010] {strides = array<i32>} : memref<16x256xf32, #tpu.memory_space<vmem>>, vector<16xf32>,
      %mul3A_1012 = arith.mulf %gather3A_959, %get3A_1011 : vector<16xf32>
      %add3A_1013 = arith.addf %add3A_913, %mul3A_1012 : vector<16xf32>
      %get3A_1014 = arith.constant 9 : i32
      %get3A_1015 = arith.index_cast %get3A_1014 : i32 to index
      %get3A_1016 = arith.constant 144 : index
      %get3A_1017 = tpu.vector_load %arg11[%get3A_1015, %get3A_1016] {strides = array<i32>} : memref<16x256xf32, #tpu.memory_space<vmem>>, vector<16xf32>,
      %mul3A_1018 = arith.mulf %gather3A_959, %get3A_1017 : vector<16xf32>
      %add3A_1019 = arith.addf %add3A_919, %mul3A_1018 : vector<16xf32>
      %get3A_1020 = arith.constant 10 : i32
      %get3A_1021 = arith.index_cast %get3A_1020 : i32 to index
      %get3A_1022 = arith.constant 144 : index
      %get3A_1023 = tpu.vector_load %arg11[%get3A_1021, %get3A_1022] {strides = array<i32>} : memref<16x256xf32, #tpu.memory_space<vmem>>, vector<16xf32>,
      %mul3A_1024 = arith.mulf %gather3A_959, %get3A_1023 : vector<16xf32>
      %add3A_1025 = arith.addf %add3A_925, %mul3A_1024 : vector<16xf32>
      %get3A_1026 = arith.constant 11 : i32
      %get3A_1027 = arith.index_cast %get3A_1026 : i32 to index
      %get3A_1028 = arith.constant 144 : index
      %get3A_1029 = tpu.vector_load %arg11[%get3A_1027, %get3A_1028] {strides = array<i32>} : memref<16x256xf32, #tpu.memory_space<vmem>>, vector<16xf32>,
      %mul3A_1030 = arith.mulf %gather3A_959, %get3A_1029 : vector<16xf32>
      %add3A_1031 = arith.addf %add3A_931, %mul3A_1030 : vector<16xf32>
      %get3A_1032 = arith.constant 12 : i32
      %get3A_1033 = arith.index_cast %get3A_1032 : i32 to index
      %get3A_1034 = arith.constant 144 : index
      %get3A_1035 = tpu.vector_load %arg11[%get3A_1033, %get3A_1034] {strides = array<i32>} : memref<16x256xf32, #tpu.memory_space<vmem>>, vector<16xf32>,
      %mul3A_1036 = arith.mulf %gather3A_959, %get3A_1035 : vector<16xf32>
      %add3A_1037 = arith.addf %add3A_937, %mul3A_1036 : vector<16xf32>
      %get3A_1038 = arith.constant 13 : i32
      %get3A_1039 = arith.index_cast %get3A_1038 : i32 to index
      %get3A_1040 = arith.constant 144 : index
      %get3A_1041 = tpu.vector_load %arg11[%get3A_1039, %get3A_1040] {strides = array<i32>} : memref<16x256xf32, #tpu.memory_space<vmem>>, vector<16xf32>,
      %mul3A_1042 = arith.mulf %gather3A_959, %get3A_1041 : vector<16xf32>
      %add3A_1043 = arith.addf %add3A_943, %mul3A_1042 : vector<16xf32>
      %get3A_1044 = arith.constant 14 : i32
      %get3A_1045 = arith.index_cast %get3A_1044 : i32 to index
      %get3A_1046 = arith.constant 144 : index
      %get3A_1047 = tpu.vector_load %arg11[%get3A_1045, %get3A_1046] {strides = array<i32>} : memref<16x256xf32, #tpu.memory_space<vmem>>, vector<16xf32>,
      %mul3A_1048 = arith.mulf %gather3A_959, %get3A_1047 : vector<16xf32>
      %add3A_1049 = arith.addf %add3A_949, %mul3A_1048 : vector<16xf32>
      %get3A_1050 = arith.constant 15 : i32
      %get3A_1051 = arith.index_cast %get3A_1050 : i32 to index
      %get3A_1052 = arith.constant 144 : index
      %get3A_1053 = tpu.vector_load %arg11[%get3A_1051, %get3A_1052] {strides = array<i32>} : memref<16x256xf32, #tpu.memory_space<vmem>>, vector<16xf32>,
      %mul3A_1054 = arith.mulf %gather3A_959, %get3A_1053 : vector<16xf32>
      %add3A_1055 = arith.addf %add3A_955, %mul3A_1054 : vector<16xf32>
      %add3A_1056 = arith.constant 32 : i32
      %add3A_1057 = vector.broadcast %add3A_1056 : i32 to vector<16xi32>
      %add3A_1058 = arith.addi %add3A_25, %add3A_1057 : vector<16xi32>
      %gather3A_1059 = tpu.vector_load_idx %arg10[%add3A_1058] : memref<2048xf32, #tpu.memory_space<vmem>>[vector<16xi32>], vector<16xf32>,
      %get3A_1060 = arith.constant 0 : i32
      %get3A_1061 = arith.index_cast %get3A_1060 : i32 to index
      %get3A_1062 = arith.constant 160 : index
      %get3A_1063 = tpu.vector_load %arg11[%get3A_1061, %get3A_1062] {strides = array<i32>} : memref<16x256xf32, #tpu.memory_space<vmem>>, vector<16xf32>,
      %mul3A_1064 = arith.mulf %gather3A_1059, %get3A_1063 : vector<16xf32>
      %add3A_1065 = arith.addf %add3A_965, %mul3A_1064 : vector<16xf32>
      %get3A_1066 = arith.constant 1 : i32
      %get3A_1067 = arith.index_cast %get3A_1066 : i32 to index
      %get3A_1068 = arith.constant 160 : index
      %get3A_1069 = tpu.vector_load %arg11[%get3A_1067, %get3A_1068] {strides = array<i32>} : memref<16x256xf32, #tpu.memory_space<vmem>>, vector<16xf32>,
      %mul3A_1070 = arith.mulf %gather3A_1059, %get3A_1069 : vector<16xf32>
      %add3A_1071 = arith.addf %add3A_971, %mul3A_1070 : vector<16xf32>
      %get3A_1072 = arith.constant 2 : i32
      %get3A_1073 = arith.index_cast %get3A_1072 : i32 to index
      %get3A_1074 = arith.constant 160 : index
      %get3A_1075 = tpu.vector_load %arg11[%get3A_1073, %get3A_1074] {strides = array<i32>} : memref<16x256xf32, #tpu.memory_space<vmem>>, vector<16xf32>,
      %mul3A_1076 = arith.mulf %gather3A_1059, %get3A_1075 : vector<16xf32>
      %add3A_1077 = arith.addf %add3A_977, %mul3A_1076 : vector<16xf32>
      %get3A_1078 = arith.constant 3 : i32
      %get3A_1079 = arith.index_cast %get3A_1078 : i32 to index
      %get3A_1080 = arith.constant 160 : index
      %get3A_1081 = tpu.vector_load %arg11[%get3A_1079, %get3A_1080] {strides = array<i32>} : memref<16x256xf32, #tpu.memory_space<vmem>>, vector<16xf32>,
      %mul3A_1082 = arith.mulf %gather3A_1059, %get3A_1081 : vector<16xf32>
      %add3A_1083 = arith.addf %add3A_983, %mul3A_1082 : vector<16xf32>
      %get3A_1084 = arith.constant 4 : i32
      %get3A_1085 = arith.index_cast %get3A_1084 : i32 to index
      %get3A_1086 = arith.constant 160 : index
      %get3A_1087 = tpu.vector_load %arg11[%get3A_1085, %get3A_1086] {strides = array<i32>} : memref<16x256xf32, #tpu.memory_space<vmem>>, vector<16xf32>,
      %mul3A_1088 = arith.mulf %gather3A_1059, %get3A_1087 : vector<16xf32>
      %add3A_1089 = arith.addf %add3A_989, %mul3A_1088 : vector<16xf32>
      %get3A_1090 = arith.constant 5 : i32
      %get3A_1091 = arith.index_cast %get3A_1090 : i32 to index
      %get3A_1092 = arith.constant 160 : index
      %get3A_1093 = tpu.vector_load %arg11[%get3A_1091, %get3A_1092] {strides = array<i32>} : memref<16x256xf32, #tpu.memory_space<vmem>>, vector<16xf32>,
      %mul3A_1094 = arith.mulf %gather3A_1059, %get3A_1093 : vector<16xf32>
      %add3A_1095 = arith.addf %add3A_995, %mul3A_1094 : vector<16xf32>
      %get3A_1096 = arith.constant 6 : i32
      %get3A_1097 = arith.index_cast %get3A_1096 : i32 to index
      %get3A_1098 = arith.constant 160 : index
      %get3A_1099 = tpu.vector_load %arg11[%get3A_1097, %get3A_1098] {strides = array<i32>} : memref<16x256xf32, #tpu.memory_space<vmem>>, vector<16xf32>,
      %mul3A_1100 = arith.mulf %gather3A_1059, %get3A_1099 : vector<16xf32>
      %add3A_1101 = arith.addf %add3A_1001, %mul3A_1100 : vector<16xf32>
      %get3A_1102 = arith.constant 7 : i32
      %get3A_1103 = arith.index_cast %get3A_1102 : i32 to index
      %get3A_1104 = arith.constant 160 : index
      %get3A_1105 = tpu.vector_load %arg11[%get3A_1103, %get3A_1104] {strides = array<i32>} : memref<16x256xf32, #tpu.memory_space<vmem>>, vector<16xf32>,
      %mul3A_1106 = arith.mulf %gather3A_1059, %get3A_1105 : vector<16xf32>
      %add3A_1107 = arith.addf %add3A_1007, %mul3A_1106 : vector<16xf32>
      %get3A_1108 = arith.constant 8 : i32
      %get3A_1109 = arith.index_cast %get3A_1108 : i32 to index
      %get3A_1110 = arith.constant 160 : index
      %get3A_1111 = tpu.vector_load %arg11[%get3A_1109, %get3A_1110] {strides = array<i32>} : memref<16x256xf32, #tpu.memory_space<vmem>>, vector<16xf32>,
      %mul3A_1112 = arith.mulf %gather3A_1059, %get3A_1111 : vector<16xf32>
      %add3A_1113 = arith.addf %add3A_1013, %mul3A_1112 : vector<16xf32>
      %get3A_1114 = arith.constant 9 : i32
      %get3A_1115 = arith.index_cast %get3A_1114 : i32 to index
      %get3A_1116 = arith.constant 160 : index
      %get3A_1117 = tpu.vector_load %arg11[%get3A_1115, %get3A_1116] {strides = array<i32>} : memref<16x256xf32, #tpu.memory_space<vmem>>, vector<16xf32>,
      %mul3A_1118 = arith.mulf %gather3A_1059, %get3A_1117 : vector<16xf32>
      %add3A_1119 = arith.addf %add3A_1019, %mul3A_1118 : vector<16xf32>
      %get3A_1120 = arith.constant 10 : i32
      %get3A_1121 = arith.index_cast %get3A_1120 : i32 to index
      %get3A_1122 = arith.constant 160 : index
      %get3A_1123 = tpu.vector_load %arg11[%get3A_1121, %get3A_1122] {strides = array<i32>} : memref<16x256xf32, #tpu.memory_space<vmem>>, vector<16xf32>,
      %mul3A_1124 = arith.mulf %gather3A_1059, %get3A_1123 : vector<16xf32>
      %add3A_1125 = arith.addf %add3A_1025, %mul3A_1124 : vector<16xf32>
      %get3A_1126 = arith.constant 11 : i32
      %get3A_1127 = arith.index_cast %get3A_1126 : i32 to index
      %get3A_1128 = arith.constant 160 : index
      %get3A_1129 = tpu.vector_load %arg11[%get3A_1127, %get3A_1128] {strides = array<i32>} : memref<16x256xf32, #tpu.memory_space<vmem>>, vector<16xf32>,
      %mul3A_1130 = arith.mulf %gather3A_1059, %get3A_1129 : vector<16xf32>
      %add3A_1131 = arith.addf %add3A_1031, %mul3A_1130 : vector<16xf32>
      %get3A_1132 = arith.constant 12 : i32
      %get3A_1133 = arith.index_cast %get3A_1132 : i32 to index
      %get3A_1134 = arith.constant 160 : index
      %get3A_1135 = tpu.vector_load %arg11[%get3A_1133, %get3A_1134] {strides = array<i32>} : memref<16x256xf32, #tpu.memory_space<vmem>>, vector<16xf32>,
      %mul3A_1136 = arith.mulf %gather3A_1059, %get3A_1135 : vector<16xf32>
      %add3A_1137 = arith.addf %add3A_1037, %mul3A_1136 : vector<16xf32>
      %get3A_1138 = arith.constant 13 : i32
      %get3A_1139 = arith.index_cast %get3A_1138 : i32 to index
      %get3A_1140 = arith.constant 160 : index
      %get3A_1141 = tpu.vector_load %arg11[%get3A_1139, %get3A_1140] {strides = array<i32>} : memref<16x256xf32, #tpu.memory_space<vmem>>, vector<16xf32>,
      %mul3A_1142 = arith.mulf %gather3A_1059, %get3A_1141 : vector<16xf32>
      %add3A_1143 = arith.addf %add3A_1043, %mul3A_1142 : vector<16xf32>
      %get3A_1144 = arith.constant 14 : i32
      %get3A_1145 = arith.index_cast %get3A_1144 : i32 to index
      %get3A_1146 = arith.constant 160 : index
      %get3A_1147 = tpu.vector_load %arg11[%get3A_1145, %get3A_1146] {strides = array<i32>} : memref<16x256xf32, #tpu.memory_space<vmem>>, vector<16xf32>,
      %mul3A_1148 = arith.mulf %gather3A_1059, %get3A_1147 : vector<16xf32>
      %add3A_1149 = arith.addf %add3A_1049, %mul3A_1148 : vector<16xf32>
      %get3A_1150 = arith.constant 15 : i32
      %get3A_1151 = arith.index_cast %get3A_1150 : i32 to index
      %get3A_1152 = arith.constant 160 : index
      %get3A_1153 = tpu.vector_load %arg11[%get3A_1151, %get3A_1152] {strides = array<i32>} : memref<16x256xf32, #tpu.memory_space<vmem>>, vector<16xf32>,
      %mul3A_1154 = arith.mulf %gather3A_1059, %get3A_1153 : vector<16xf32>
      %add3A_1155 = arith.addf %add3A_1055, %mul3A_1154 : vector<16xf32>
      %add3A_1156 = arith.constant 48 : i32
      %add3A_1157 = vector.broadcast %add3A_1156 : i32 to vector<16xi32>
      %add3A_1158 = arith.addi %add3A_25, %add3A_1157 : vector<16xi32>
      %gather3A_1159 = tpu.vector_load_idx %arg10[%add3A_1158] : memref<2048xf32, #tpu.memory_space<vmem>>[vector<16xi32>], vector<16xf32>,
      %get3A_1160 = arith.constant 0 : i32
      %get3A_1161 = arith.index_cast %get3A_1160 : i32 to index
      %get3A_1162 = arith.constant 176 : index
      %get3A_1163 = tpu.vector_load %arg11[%get3A_1161, %get3A_1162] {strides = array<i32>} : memref<16x256xf32, #tpu.memory_space<vmem>>, vector<16xf32>,
      %mul3A_1164 = arith.mulf %gather3A_1159, %get3A_1163 : vector<16xf32>
      %add3A_1165 = arith.addf %add3A_1065, %mul3A_1164 : vector<16xf32>
      %get3A_1166 = arith.constant 1 : i32
      %get3A_1167 = arith.index_cast %get3A_1166 : i32 to index
      %get3A_1168 = arith.constant 176 : index
      %get3A_1169 = tpu.vector_load %arg11[%get3A_1167, %get3A_1168] {strides = array<i32>} : memref<16x256xf32, #tpu.memory_space<vmem>>, vector<16xf32>,
      %mul3A_1170 = arith.mulf %gather3A_1159, %get3A_1169 : vector<16xf32>
      %add3A_1171 = arith.addf %add3A_1071, %mul3A_1170 : vector<16xf32>
      %get3A_1172 = arith.constant 2 : i32
      %get3A_1173 = arith.index_cast %get3A_1172 : i32 to index
      %get3A_1174 = arith.constant 176 : index
      %get3A_1175 = tpu.vector_load %arg11[%get3A_1173, %get3A_1174] {strides = array<i32>} : memref<16x256xf32, #tpu.memory_space<vmem>>, vector<16xf32>,
      %mul3A_1176 = arith.mulf %gather3A_1159, %get3A_1175 : vector<16xf32>
      %add3A_1177 = arith.addf %add3A_1077, %mul3A_1176 : vector<16xf32>
      %get3A_1178 = arith.constant 3 : i32
      %get3A_1179 = arith.index_cast %get3A_1178 : i32 to index
      %get3A_1180 = arith.constant 176 : index
      %get3A_1181 = tpu.vector_load %arg11[%get3A_1179, %get3A_1180] {strides = array<i32>} : memref<16x256xf32, #tpu.memory_space<vmem>>, vector<16xf32>,
      %mul3A_1182 = arith.mulf %gather3A_1159, %get3A_1181 : vector<16xf32>
      %add3A_1183 = arith.addf %add3A_1083, %mul3A_1182 : vector<16xf32>
      %get3A_1184 = arith.constant 4 : i32
      %get3A_1185 = arith.index_cast %get3A_1184 : i32 to index
      %get3A_1186 = arith.constant 176 : index
      %get3A_1187 = tpu.vector_load %arg11[%get3A_1185, %get3A_1186] {strides = array<i32>} : memref<16x256xf32, #tpu.memory_space<vmem>>, vector<16xf32>,
      %mul3A_1188 = arith.mulf %gather3A_1159, %get3A_1187 : vector<16xf32>
      %add3A_1189 = arith.addf %add3A_1089, %mul3A_1188 : vector<16xf32>
      %get3A_1190 = arith.constant 5 : i32
      %get3A_1191 = arith.index_cast %get3A_1190 : i32 to index
      %get3A_1192 = arith.constant 176 : index
      %get3A_1193 = tpu.vector_load %arg11[%get3A_1191, %get3A_1192] {strides = array<i32>} : memref<16x256xf32, #tpu.memory_space<vmem>>, vector<16xf32>,
      %mul3A_1194 = arith.mulf %gather3A_1159, %get3A_1193 : vector<16xf32>
      %add3A_1195 = arith.addf %add3A_1095, %mul3A_1194 : vector<16xf32>
      %get3A_1196 = arith.constant 6 : i32
      %get3A_1197 = arith.index_cast %get3A_1196 : i32 to index
      %get3A_1198 = arith.constant 176 : index
      %get3A_1199 = tpu.vector_load %arg11[%get3A_1197, %get3A_1198] {strides = array<i32>} : memref<16x256xf32, #tpu.memory_space<vmem>>, vector<16xf32>,
      %mul3A_1200 = arith.mulf %gather3A_1159, %get3A_1199 : vector<16xf32>
      %add3A_1201 = arith.addf %add3A_1101, %mul3A_1200 : vector<16xf32>
      %get3A_1202 = arith.constant 7 : i32
      %get3A_1203 = arith.index_cast %get3A_1202 : i32 to index
      %get3A_1204 = arith.constant 176 : index
      %get3A_1205 = tpu.vector_load %arg11[%get3A_1203, %get3A_1204] {strides = array<i32>} : memref<16x256xf32, #tpu.memory_space<vmem>>, vector<16xf32>,
      %mul3A_1206 = arith.mulf %gather3A_1159, %get3A_1205 : vector<16xf32>
      %add3A_1207 = arith.addf %add3A_1107, %mul3A_1206 : vector<16xf32>
      %get3A_1208 = arith.constant 8 : i32
      %get3A_1209 = arith.index_cast %get3A_1208 : i32 to index
      %get3A_1210 = arith.constant 176 : index
      %get3A_1211 = tpu.vector_load %arg11[%get3A_1209, %get3A_1210] {strides = array<i32>} : memref<16x256xf32, #tpu.memory_space<vmem>>, vector<16xf32>,
      %mul3A_1212 = arith.mulf %gather3A_1159, %get3A_1211 : vector<16xf32>
      %add3A_1213 = arith.addf %add3A_1113, %mul3A_1212 : vector<16xf32>
      %get3A_1214 = arith.constant 9 : i32
      %get3A_1215 = arith.index_cast %get3A_1214 : i32 to index
      %get3A_1216 = arith.constant 176 : index
      %get3A_1217 = tpu.vector_load %arg11[%get3A_1215, %get3A_1216] {strides = array<i32>} : memref<16x256xf32, #tpu.memory_space<vmem>>, vector<16xf32>,
      %mul3A_1218 = arith.mulf %gather3A_1159, %get3A_1217 : vector<16xf32>
      %add3A_1219 = arith.addf %add3A_1119, %mul3A_1218 : vector<16xf32>
      %get3A_1220 = arith.constant 10 : i32
      %get3A_1221 = arith.index_cast %get3A_1220 : i32 to index
      %get3A_1222 = arith.constant 176 : index
      %get3A_1223 = tpu.vector_load %arg11[%get3A_1221, %get3A_1222] {strides = array<i32>} : memref<16x256xf32, #tpu.memory_space<vmem>>, vector<16xf32>,
      %mul3A_1224 = arith.mulf %gather3A_1159, %get3A_1223 : vector<16xf32>
      %add3A_1225 = arith.addf %add3A_1125, %mul3A_1224 : vector<16xf32>
      %get3A_1226 = arith.constant 11 : i32
      %get3A_1227 = arith.index_cast %get3A_1226 : i32 to index
      %get3A_1228 = arith.constant 176 : index
      %get3A_1229 = tpu.vector_load %arg11[%get3A_1227, %get3A_1228] {strides = array<i32>} : memref<16x256xf32, #tpu.memory_space<vmem>>, vector<16xf32>,
      %mul3A_1230 = arith.mulf %gather3A_1159, %get3A_1229 : vector<16xf32>
      %add3A_1231 = arith.addf %add3A_1131, %mul3A_1230 : vector<16xf32>
      %get3A_1232 = arith.constant 12 : i32
      %get3A_1233 = arith.index_cast %get3A_1232 : i32 to index
      %get3A_1234 = arith.constant 176 : index
      %get3A_1235 = tpu.vector_load %arg11[%get3A_1233, %get3A_1234] {strides = array<i32>} : memref<16x256xf32, #tpu.memory_space<vmem>>, vector<16xf32>,
      %mul3A_1236 = arith.mulf %gather3A_1159, %get3A_1235 : vector<16xf32>
      %add3A_1237 = arith.addf %add3A_1137, %mul3A_1236 : vector<16xf32>
      %get3A_1238 = arith.constant 13 : i32
      %get3A_1239 = arith.index_cast %get3A_1238 : i32 to index
      %get3A_1240 = arith.constant 176 : index
      %get3A_1241 = tpu.vector_load %arg11[%get3A_1239, %get3A_1240] {strides = array<i32>} : memref<16x256xf32, #tpu.memory_space<vmem>>, vector<16xf32>,
      %mul3A_1242 = arith.mulf %gather3A_1159, %get3A_1241 : vector<16xf32>
      %add3A_1243 = arith.addf %add3A_1143, %mul3A_1242 : vector<16xf32>
      %get3A_1244 = arith.constant 14 : i32
      %get3A_1245 = arith.index_cast %get3A_1244 : i32 to index
      %get3A_1246 = arith.constant 176 : index
      %get3A_1247 = tpu.vector_load %arg11[%get3A_1245, %get3A_1246] {strides = array<i32>} : memref<16x256xf32, #tpu.memory_space<vmem>>, vector<16xf32>,
      %mul3A_1248 = arith.mulf %gather3A_1159, %get3A_1247 : vector<16xf32>
      %add3A_1249 = arith.addf %add3A_1149, %mul3A_1248 : vector<16xf32>
      %get3A_1250 = arith.constant 15 : i32
      %get3A_1251 = arith.index_cast %get3A_1250 : i32 to index
      %get3A_1252 = arith.constant 176 : index
      %get3A_1253 = tpu.vector_load %arg11[%get3A_1251, %get3A_1252] {strides = array<i32>} : memref<16x256xf32, #tpu.memory_space<vmem>>, vector<16xf32>,
      %mul3A_1254 = arith.mulf %gather3A_1159, %get3A_1253 : vector<16xf32>
      %add3A_1255 = arith.addf %add3A_1155, %mul3A_1254 : vector<16xf32>
      %add3A_1256 = arith.constant 64 : i32
      %add3A_1257 = vector.broadcast %add3A_1256 : i32 to vector<16xi32>
      %add3A_1258 = arith.addi %add3A_25, %add3A_1257 : vector<16xi32>
      %gather3A_1259 = tpu.vector_load_idx %arg10[%add3A_1258] : memref<2048xf32, #tpu.memory_space<vmem>>[vector<16xi32>], vector<16xf32>,
      %get3A_1260 = arith.constant 0 : i32
      %get3A_1261 = arith.index_cast %get3A_1260 : i32 to index
      %get3A_1262 = arith.constant 192 : index
      %get3A_1263 = tpu.vector_load %arg11[%get3A_1261, %get3A_1262] {strides = array<i32>} : memref<16x256xf32, #tpu.memory_space<vmem>>, vector<16xf32>,
      %mul3A_1264 = arith.mulf %gather3A_1259, %get3A_1263 : vector<16xf32>
      %add3A_1265 = arith.addf %add3A_1165, %mul3A_1264 : vector<16xf32>
      %get3A_1266 = arith.constant 1 : i32
      %get3A_1267 = arith.index_cast %get3A_1266 : i32 to index
      %get3A_1268 = arith.constant 192 : index
      %get3A_1269 = tpu.vector_load %arg11[%get3A_1267, %get3A_1268] {strides = array<i32>} : memref<16x256xf32, #tpu.memory_space<vmem>>, vector<16xf32>,
      %mul3A_1270 = arith.mulf %gather3A_1259, %get3A_1269 : vector<16xf32>
      %add3A_1271 = arith.addf %add3A_1171, %mul3A_1270 : vector<16xf32>
      %get3A_1272 = arith.constant 2 : i32
      %get3A_1273 = arith.index_cast %get3A_1272 : i32 to index
      %get3A_1274 = arith.constant 192 : index
      %get3A_1275 = tpu.vector_load %arg11[%get3A_1273, %get3A_1274] {strides = array<i32>} : memref<16x256xf32, #tpu.memory_space<vmem>>, vector<16xf32>,
      %mul3A_1276 = arith.mulf %gather3A_1259, %get3A_1275 : vector<16xf32>
      %add3A_1277 = arith.addf %add3A_1177, %mul3A_1276 : vector<16xf32>
      %get3A_1278 = arith.constant 3 : i32
      %get3A_1279 = arith.index_cast %get3A_1278 : i32 to index
      %get3A_1280 = arith.constant 192 : index
      %get3A_1281 = tpu.vector_load %arg11[%get3A_1279, %get3A_1280] {strides = array<i32>} : memref<16x256xf32, #tpu.memory_space<vmem>>, vector<16xf32>,
      %mul3A_1282 = arith.mulf %gather3A_1259, %get3A_1281 : vector<16xf32>
      %add3A_1283 = arith.addf %add3A_1183, %mul3A_1282 : vector<16xf32>
      %get3A_1284 = arith.constant 4 : i32
      %get3A_1285 = arith.index_cast %get3A_1284 : i32 to index
      %get3A_1286 = arith.constant 192 : index
      %get3A_1287 = tpu.vector_load %arg11[%get3A_1285, %get3A_1286] {strides = array<i32>} : memref<16x256xf32, #tpu.memory_space<vmem>>, vector<16xf32>,
      %mul3A_1288 = arith.mulf %gather3A_1259, %get3A_1287 : vector<16xf32>
      %add3A_1289 = arith.addf %add3A_1189, %mul3A_1288 : vector<16xf32>
      %get3A_1290 = arith.constant 5 : i32
      %get3A_1291 = arith.index_cast %get3A_1290 : i32 to index
      %get3A_1292 = arith.constant 192 : index
      %get3A_1293 = tpu.vector_load %arg11[%get3A_1291, %get3A_1292] {strides = array<i32>} : memref<16x256xf32, #tpu.memory_space<vmem>>, vector<16xf32>,
      %mul3A_1294 = arith.mulf %gather3A_1259, %get3A_1293 : vector<16xf32>
      %add3A_1295 = arith.addf %add3A_1195, %mul3A_1294 : vector<16xf32>
      %get3A_1296 = arith.constant 6 : i32
      %get3A_1297 = arith.index_cast %get3A_1296 : i32 to index
      %get3A_1298 = arith.constant 192 : index
      %get3A_1299 = tpu.vector_load %arg11[%get3A_1297, %get3A_1298] {strides = array<i32>} : memref<16x256xf32, #tpu.memory_space<vmem>>, vector<16xf32>,
      %mul3A_1300 = arith.mulf %gather3A_1259, %get3A_1299 : vector<16xf32>
      %add3A_1301 = arith.addf %add3A_1201, %mul3A_1300 : vector<16xf32>
      %get3A_1302 = arith.constant 7 : i32
      %get3A_1303 = arith.index_cast %get3A_1302 : i32 to index
      %get3A_1304 = arith.constant 192 : index
      %get3A_1305 = tpu.vector_load %arg11[%get3A_1303, %get3A_1304] {strides = array<i32>} : memref<16x256xf32, #tpu.memory_space<vmem>>, vector<16xf32>,
      %mul3A_1306 = arith.mulf %gather3A_1259, %get3A_1305 : vector<16xf32>
      %add3A_1307 = arith.addf %add3A_1207, %mul3A_1306 : vector<16xf32>
      %get3A_1308 = arith.constant 8 : i32
      %get3A_1309 = arith.index_cast %get3A_1308 : i32 to index
      %get3A_1310 = arith.constant 192 : index
      %get3A_1311 = tpu.vector_load %arg11[%get3A_1309, %get3A_1310] {strides = array<i32>} : memref<16x256xf32, #tpu.memory_space<vmem>>, vector<16xf32>,
      %mul3A_1312 = arith.mulf %gather3A_1259, %get3A_1311 : vector<16xf32>
      %add3A_1313 = arith.addf %add3A_1213, %mul3A_1312 : vector<16xf32>
      %get3A_1314 = arith.constant 9 : i32
      %get3A_1315 = arith.index_cast %get3A_1314 : i32 to index
      %get3A_1316 = arith.constant 192 : index
      %get3A_1317 = tpu.vector_load %arg11[%get3A_1315, %get3A_1316] {strides = array<i32>} : memref<16x256xf32, #tpu.memory_space<vmem>>, vector<16xf32>,
      %mul3A_1318 = arith.mulf %gather3A_1259, %get3A_1317 : vector<16xf32>
      %add3A_1319 = arith.addf %add3A_1219, %mul3A_1318 : vector<16xf32>
      %get3A_1320 = arith.constant 10 : i32
      %get3A_1321 = arith.index_cast %get3A_1320 : i32 to index
      %get3A_1322 = arith.constant 192 : index
      %get3A_1323 = tpu.vector_load %arg11[%get3A_1321, %get3A_1322] {strides = array<i32>} : memref<16x256xf32, #tpu.memory_space<vmem>>, vector<16xf32>,
      %mul3A_1324 = arith.mulf %gather3A_1259, %get3A_1323 : vector<16xf32>
      %add3A_1325 = arith.addf %add3A_1225, %mul3A_1324 : vector<16xf32>
      %get3A_1326 = arith.constant 11 : i32
      %get3A_1327 = arith.index_cast %get3A_1326 : i32 to index
      %get3A_1328 = arith.constant 192 : index
      %get3A_1329 = tpu.vector_load %arg11[%get3A_1327, %get3A_1328] {strides = array<i32>} : memref<16x256xf32, #tpu.memory_space<vmem>>, vector<16xf32>,
      %mul3A_1330 = arith.mulf %gather3A_1259, %get3A_1329 : vector<16xf32>
      %add3A_1331 = arith.addf %add3A_1231, %mul3A_1330 : vector<16xf32>
      %get3A_1332 = arith.constant 12 : i32
      %get3A_1333 = arith.index_cast %get3A_1332 : i32 to index
      %get3A_1334 = arith.constant 192 : index
      %get3A_1335 = tpu.vector_load %arg11[%get3A_1333, %get3A_1334] {strides = array<i32>} : memref<16x256xf32, #tpu.memory_space<vmem>>, vector<16xf32>,
      %mul3A_1336 = arith.mulf %gather3A_1259, %get3A_1335 : vector<16xf32>
      %add3A_1337 = arith.addf %add3A_1237, %mul3A_1336 : vector<16xf32>
      %get3A_1338 = arith.constant 13 : i32
      %get3A_1339 = arith.index_cast %get3A_1338 : i32 to index
      %get3A_1340 = arith.constant 192 : index
      %get3A_1341 = tpu.vector_load %arg11[%get3A_1339, %get3A_1340] {strides = array<i32>} : memref<16x256xf32, #tpu.memory_space<vmem>>, vector<16xf32>,
      %mul3A_1342 = arith.mulf %gather3A_1259, %get3A_1341 : vector<16xf32>
      %add3A_1343 = arith.addf %add3A_1243, %mul3A_1342 : vector<16xf32>
      %get3A_1344 = arith.constant 14 : i32
      %get3A_1345 = arith.index_cast %get3A_1344 : i32 to index
      %get3A_1346 = arith.constant 192 : index
      %get3A_1347 = tpu.vector_load %arg11[%get3A_1345, %get3A_1346] {strides = array<i32>} : memref<16x256xf32, #tpu.memory_space<vmem>>, vector<16xf32>,
      %mul3A_1348 = arith.mulf %gather3A_1259, %get3A_1347 : vector<16xf32>
      %add3A_1349 = arith.addf %add3A_1249, %mul3A_1348 : vector<16xf32>
      %get3A_1350 = arith.constant 15 : i32
      %get3A_1351 = arith.index_cast %get3A_1350 : i32 to index
      %get3A_1352 = arith.constant 192 : index
      %get3A_1353 = tpu.vector_load %arg11[%get3A_1351, %get3A_1352] {strides = array<i32>} : memref<16x256xf32, #tpu.memory_space<vmem>>, vector<16xf32>,
      %mul3A_1354 = arith.mulf %gather3A_1259, %get3A_1353 : vector<16xf32>
      %add3A_1355 = arith.addf %add3A_1255, %mul3A_1354 : vector<16xf32>
      %add3A_1356 = arith.constant 80 : i32
      %add3A_1357 = vector.broadcast %add3A_1356 : i32 to vector<16xi32>
      %add3A_1358 = arith.addi %add3A_25, %add3A_1357 : vector<16xi32>
      %gather3A_1359 = tpu.vector_load_idx %arg10[%add3A_1358] : memref<2048xf32, #tpu.memory_space<vmem>>[vector<16xi32>], vector<16xf32>,
      %get3A_1360 = arith.constant 0 : i32
      %get3A_1361 = arith.index_cast %get3A_1360 : i32 to index
      %get3A_1362 = arith.constant 208 : index
      %get3A_1363 = tpu.vector_load %arg11[%get3A_1361, %get3A_1362] {strides = array<i32>} : memref<16x256xf32, #tpu.memory_space<vmem>>, vector<16xf32>,
      %mul3A_1364 = arith.mulf %gather3A_1359, %get3A_1363 : vector<16xf32>
      %add3A_1365 = arith.addf %add3A_1265, %mul3A_1364 : vector<16xf32>
      %get3A_1366 = arith.constant 1 : i32
      %get3A_1367 = arith.index_cast %get3A_1366 : i32 to index
      %get3A_1368 = arith.constant 208 : index
      %get3A_1369 = tpu.vector_load %arg11[%get3A_1367, %get3A_1368] {strides = array<i32>} : memref<16x256xf32, #tpu.memory_space<vmem>>, vector<16xf32>,
      %mul3A_1370 = arith.mulf %gather3A_1359, %get3A_1369 : vector<16xf32>
      %add3A_1371 = arith.addf %add3A_1271, %mul3A_1370 : vector<16xf32>
      %get3A_1372 = arith.constant 2 : i32
      %get3A_1373 = arith.index_cast %get3A_1372 : i32 to index
      %get3A_1374 = arith.constant 208 : index
      %get3A_1375 = tpu.vector_load %arg11[%get3A_1373, %get3A_1374] {strides = array<i32>} : memref<16x256xf32, #tpu.memory_space<vmem>>, vector<16xf32>,
      %mul3A_1376 = arith.mulf %gather3A_1359, %get3A_1375 : vector<16xf32>
      %add3A_1377 = arith.addf %add3A_1277, %mul3A_1376 : vector<16xf32>
      %get3A_1378 = arith.constant 3 : i32
      %get3A_1379 = arith.index_cast %get3A_1378 : i32 to index
      %get3A_1380 = arith.constant 208 : index
      %get3A_1381 = tpu.vector_load %arg11[%get3A_1379, %get3A_1380] {strides = array<i32>} : memref<16x256xf32, #tpu.memory_space<vmem>>, vector<16xf32>,
      %mul3A_1382 = arith.mulf %gather3A_1359, %get3A_1381 : vector<16xf32>
      %add3A_1383 = arith.addf %add3A_1283, %mul3A_1382 : vector<16xf32>
      %get3A_1384 = arith.constant 4 : i32
      %get3A_1385 = arith.index_cast %get3A_1384 : i32 to index
      %get3A_1386 = arith.constant 208 : index
      %get3A_1387 = tpu.vector_load %arg11[%get3A_1385, %get3A_1386] {strides = array<i32>} : memref<16x256xf32, #tpu.memory_space<vmem>>, vector<16xf32>,
      %mul3A_1388 = arith.mulf %gather3A_1359, %get3A_1387 : vector<16xf32>
      %add3A_1389 = arith.addf %add3A_1289, %mul3A_1388 : vector<16xf32>
      %get3A_1390 = arith.constant 5 : i32
      %get3A_1391 = arith.index_cast %get3A_1390 : i32 to index
      %get3A_1392 = arith.constant 208 : index
      %get3A_1393 = tpu.vector_load %arg11[%get3A_1391, %get3A_1392] {strides = array<i32>} : memref<16x256xf32, #tpu.memory_space<vmem>>, vector<16xf32>,
      %mul3A_1394 = arith.mulf %gather3A_1359, %get3A_1393 : vector<16xf32>
      %add3A_1395 = arith.addf %add3A_1295, %mul3A_1394 : vector<16xf32>
      %get3A_1396 = arith.constant 6 : i32
      %get3A_1397 = arith.index_cast %get3A_1396 : i32 to index
      %get3A_1398 = arith.constant 208 : index
      %get3A_1399 = tpu.vector_load %arg11[%get3A_1397, %get3A_1398] {strides = array<i32>} : memref<16x256xf32, #tpu.memory_space<vmem>>, vector<16xf32>,
      %mul3A_1400 = arith.mulf %gather3A_1359, %get3A_1399 : vector<16xf32>
      %add3A_1401 = arith.addf %add3A_1301, %mul3A_1400 : vector<16xf32>
      %get3A_1402 = arith.constant 7 : i32
      %get3A_1403 = arith.index_cast %get3A_1402 : i32 to index
      %get3A_1404 = arith.constant 208 : index
      %get3A_1405 = tpu.vector_load %arg11[%get3A_1403, %get3A_1404] {strides = array<i32>} : memref<16x256xf32, #tpu.memory_space<vmem>>, vector<16xf32>,
      %mul3A_1406 = arith.mulf %gather3A_1359, %get3A_1405 : vector<16xf32>
      %add3A_1407 = arith.addf %add3A_1307, %mul3A_1406 : vector<16xf32>
      %get3A_1408 = arith.constant 8 : i32
      %get3A_1409 = arith.index_cast %get3A_1408 : i32 to index
      %get3A_1410 = arith.constant 208 : index
      %get3A_1411 = tpu.vector_load %arg11[%get3A_1409, %get3A_1410] {strides = array<i32>} : memref<16x256xf32, #tpu.memory_space<vmem>>, vector<16xf32>,
      %mul3A_1412 = arith.mulf %gather3A_1359, %get3A_1411 : vector<16xf32>
      %add3A_1413 = arith.addf %add3A_1313, %mul3A_1412 : vector<16xf32>
      %get3A_1414 = arith.constant 9 : i32
      %get3A_1415 = arith.index_cast %get3A_1414 : i32 to index
      %get3A_1416 = arith.constant 208 : index
      %get3A_1417 = tpu.vector_load %arg11[%get3A_1415, %get3A_1416] {strides = array<i32>} : memref<16x256xf32, #tpu.memory_space<vmem>>, vector<16xf32>,
      %mul3A_1418 = arith.mulf %gather3A_1359, %get3A_1417 : vector<16xf32>
      %add3A_1419 = arith.addf %add3A_1319, %mul3A_1418 : vector<16xf32>
      %get3A_1420 = arith.constant 10 : i32
      %get3A_1421 = arith.index_cast %get3A_1420 : i32 to index
      %get3A_1422 = arith.constant 208 : index
      %get3A_1423 = tpu.vector_load %arg11[%get3A_1421, %get3A_1422] {strides = array<i32>} : memref<16x256xf32, #tpu.memory_space<vmem>>, vector<16xf32>,
      %mul3A_1424 = arith.mulf %gather3A_1359, %get3A_1423 : vector<16xf32>
      %add3A_1425 = arith.addf %add3A_1325, %mul3A_1424 : vector<16xf32>
      %get3A_1426 = arith.constant 11 : i32
      %get3A_1427 = arith.index_cast %get3A_1426 : i32 to index
      %get3A_1428 = arith.constant 208 : index
      %get3A_1429 = tpu.vector_load %arg11[%get3A_1427, %get3A_1428] {strides = array<i32>} : memref<16x256xf32, #tpu.memory_space<vmem>>, vector<16xf32>,
      %mul3A_1430 = arith.mulf %gather3A_1359, %get3A_1429 : vector<16xf32>
      %add3A_1431 = arith.addf %add3A_1331, %mul3A_1430 : vector<16xf32>
      %get3A_1432 = arith.constant 12 : i32
      %get3A_1433 = arith.index_cast %get3A_1432 : i32 to index
      %get3A_1434 = arith.constant 208 : index
      %get3A_1435 = tpu.vector_load %arg11[%get3A_1433, %get3A_1434] {strides = array<i32>} : memref<16x256xf32, #tpu.memory_space<vmem>>, vector<16xf32>,
      %mul3A_1436 = arith.mulf %gather3A_1359, %get3A_1435 : vector<16xf32>
      %add3A_1437 = arith.addf %add3A_1337, %mul3A_1436 : vector<16xf32>
      %get3A_1438 = arith.constant 13 : i32
      %get3A_1439 = arith.index_cast %get3A_1438 : i32 to index
      %get3A_1440 = arith.constant 208 : index
      %get3A_1441 = tpu.vector_load %arg11[%get3A_1439, %get3A_1440] {strides = array<i32>} : memref<16x256xf32, #tpu.memory_space<vmem>>, vector<16xf32>,
      %mul3A_1442 = arith.mulf %gather3A_1359, %get3A_1441 : vector<16xf32>
      %add3A_1443 = arith.addf %add3A_1343, %mul3A_1442 : vector<16xf32>
      %get3A_1444 = arith.constant 14 : i32
      %get3A_1445 = arith.index_cast %get3A_1444 : i32 to index
      %get3A_1446 = arith.constant 208 : index
      %get3A_1447 = tpu.vector_load %arg11[%get3A_1445, %get3A_1446] {strides = array<i32>} : memref<16x256xf32, #tpu.memory_space<vmem>>, vector<16xf32>,
      %mul3A_1448 = arith.mulf %gather3A_1359, %get3A_1447 : vector<16xf32>
      %add3A_1449 = arith.addf %add3A_1349, %mul3A_1448 : vector<16xf32>
      %get3A_1450 = arith.constant 15 : i32
      %get3A_1451 = arith.index_cast %get3A_1450 : i32 to index
      %get3A_1452 = arith.constant 208 : index
      %get3A_1453 = tpu.vector_load %arg11[%get3A_1451, %get3A_1452] {strides = array<i32>} : memref<16x256xf32, #tpu.memory_space<vmem>>, vector<16xf32>,
      %mul3A_1454 = arith.mulf %gather3A_1359, %get3A_1453 : vector<16xf32>
      %add3A_1455 = arith.addf %add3A_1355, %mul3A_1454 : vector<16xf32>
      %add3A_1456 = arith.constant 96 : i32
      %add3A_1457 = vector.broadcast %add3A_1456 : i32 to vector<16xi32>
      %add3A_1458 = arith.addi %add3A_25, %add3A_1457 : vector<16xi32>
      %gather3A_1459 = tpu.vector_load_idx %arg10[%add3A_1458] : memref<2048xf32, #tpu.memory_space<vmem>>[vector<16xi32>], vector<16xf32>,
      %get3A_1460 = arith.constant 0 : i32
      %get3A_1461 = arith.index_cast %get3A_1460 : i32 to index
      %get3A_1462 = arith.constant 224 : index
      %get3A_1463 = tpu.vector_load %arg11[%get3A_1461, %get3A_1462] {strides = array<i32>} : memref<16x256xf32, #tpu.memory_space<vmem>>, vector<16xf32>,
      %mul3A_1464 = arith.mulf %gather3A_1459, %get3A_1463 : vector<16xf32>
      %add3A_1465 = arith.addf %add3A_1365, %mul3A_1464 : vector<16xf32>
      %get3A_1466 = arith.constant 1 : i32
      %get3A_1467 = arith.index_cast %get3A_1466 : i32 to index
      %get3A_1468 = arith.constant 224 : index
      %get3A_1469 = tpu.vector_load %arg11[%get3A_1467, %get3A_1468] {strides = array<i32>} : memref<16x256xf32, #tpu.memory_space<vmem>>, vector<16xf32>,
      %mul3A_1470 = arith.mulf %gather3A_1459, %get3A_1469 : vector<16xf32>
      %add3A_1471 = arith.addf %add3A_1371, %mul3A_1470 : vector<16xf32>
      %get3A_1472 = arith.constant 2 : i32
      %get3A_1473 = arith.index_cast %get3A_1472 : i32 to index
      %get3A_1474 = arith.constant 224 : index
      %get3A_1475 = tpu.vector_load %arg11[%get3A_1473, %get3A_1474] {strides = array<i32>} : memref<16x256xf32, #tpu.memory_space<vmem>>, vector<16xf32>,
      %mul3A_1476 = arith.mulf %gather3A_1459, %get3A_1475 : vector<16xf32>
      %add3A_1477 = arith.addf %add3A_1377, %mul3A_1476 : vector<16xf32>
      %get3A_1478 = arith.constant 3 : i32
      %get3A_1479 = arith.index_cast %get3A_1478 : i32 to index
      %get3A_1480 = arith.constant 224 : index
      %get3A_1481 = tpu.vector_load %arg11[%get3A_1479, %get3A_1480] {strides = array<i32>} : memref<16x256xf32, #tpu.memory_space<vmem>>, vector<16xf32>,
      %mul3A_1482 = arith.mulf %gather3A_1459, %get3A_1481 : vector<16xf32>
      %add3A_1483 = arith.addf %add3A_1383, %mul3A_1482 : vector<16xf32>
      %get3A_1484 = arith.constant 4 : i32
      %get3A_1485 = arith.index_cast %get3A_1484 : i32 to index
      %get3A_1486 = arith.constant 224 : index
      %get3A_1487 = tpu.vector_load %arg11[%get3A_1485, %get3A_1486] {strides = array<i32>} : memref<16x256xf32, #tpu.memory_space<vmem>>, vector<16xf32>,
      %mul3A_1488 = arith.mulf %gather3A_1459, %get3A_1487 : vector<16xf32>
      %add3A_1489 = arith.addf %add3A_1389, %mul3A_1488 : vector<16xf32>
      %get3A_1490 = arith.constant 5 : i32
      %get3A_1491 = arith.index_cast %get3A_1490 : i32 to index
      %get3A_1492 = arith.constant 224 : index
      %get3A_1493 = tpu.vector_load %arg11[%get3A_1491, %get3A_1492] {strides = array<i32>} : memref<16x256xf32, #tpu.memory_space<vmem>>, vector<16xf32>,
      %mul3A_1494 = arith.mulf %gather3A_1459, %get3A_1493 : vector<16xf32>
      %add3A_1495 = arith.addf %add3A_1395, %mul3A_1494 : vector<16xf32>
      %get3A_1496 = arith.constant 6 : i32
      %get3A_1497 = arith.index_cast %get3A_1496 : i32 to index
      %get3A_1498 = arith.constant 224 : index
      %get3A_1499 = tpu.vector_load %arg11[%get3A_1497, %get3A_1498] {strides = array<i32>} : memref<16x256xf32, #tpu.memory_space<vmem>>, vector<16xf32>,
      %mul3A_1500 = arith.mulf %gather3A_1459, %get3A_1499 : vector<16xf32>
      %add3A_1501 = arith.addf %add3A_1401, %mul3A_1500 : vector<16xf32>
      %get3A_1502 = arith.constant 7 : i32
      %get3A_1503 = arith.index_cast %get3A_1502 : i32 to index
      %get3A_1504 = arith.constant 224 : index
      %get3A_1505 = tpu.vector_load %arg11[%get3A_1503, %get3A_1504] {strides = array<i32>} : memref<16x256xf32, #tpu.memory_space<vmem>>, vector<16xf32>,
      %mul3A_1506 = arith.mulf %gather3A_1459, %get3A_1505 : vector<16xf32>
      %add3A_1507 = arith.addf %add3A_1407, %mul3A_1506 : vector<16xf32>
      %get3A_1508 = arith.constant 8 : i32
      %get3A_1509 = arith.index_cast %get3A_1508 : i32 to index
      %get3A_1510 = arith.constant 224 : index
      %get3A_1511 = tpu.vector_load %arg11[%get3A_1509, %get3A_1510] {strides = array<i32>} : memref<16x256xf32, #tpu.memory_space<vmem>>, vector<16xf32>,
      %mul3A_1512 = arith.mulf %gather3A_1459, %get3A_1511 : vector<16xf32>
      %add3A_1513 = arith.addf %add3A_1413, %mul3A_1512 : vector<16xf32>
      %get3A_1514 = arith.constant 9 : i32
      %get3A_1515 = arith.index_cast %get3A_1514 : i32 to index
      %get3A_1516 = arith.constant 224 : index
      %get3A_1517 = tpu.vector_load %arg11[%get3A_1515, %get3A_1516] {strides = array<i32>} : memref<16x256xf32, #tpu.memory_space<vmem>>, vector<16xf32>,
      %mul3A_1518 = arith.mulf %gather3A_1459, %get3A_1517 : vector<16xf32>
      %add3A_1519 = arith.addf %add3A_1419, %mul3A_1518 : vector<16xf32>
      %get3A_1520 = arith.constant 10 : i32
      %get3A_1521 = arith.index_cast %get3A_1520 : i32 to index
      %get3A_1522 = arith.constant 224 : index
      %get3A_1523 = tpu.vector_load %arg11[%get3A_1521, %get3A_1522] {strides = array<i32>} : memref<16x256xf32, #tpu.memory_space<vmem>>, vector<16xf32>,
      %mul3A_1524 = arith.mulf %gather3A_1459, %get3A_1523 : vector<16xf32>
      %add3A_1525 = arith.addf %add3A_1425, %mul3A_1524 : vector<16xf32>
      %get3A_1526 = arith.constant 11 : i32
      %get3A_1527 = arith.index_cast %get3A_1526 : i32 to index
      %get3A_1528 = arith.constant 224 : index
      %get3A_1529 = tpu.vector_load %arg11[%get3A_1527, %get3A_1528] {strides = array<i32>} : memref<16x256xf32, #tpu.memory_space<vmem>>, vector<16xf32>,
      %mul3A_1530 = arith.mulf %gather3A_1459, %get3A_1529 : vector<16xf32>
      %add3A_1531 = arith.addf %add3A_1431, %mul3A_1530 : vector<16xf32>
      %get3A_1532 = arith.constant 12 : i32
      %get3A_1533 = arith.index_cast %get3A_1532 : i32 to index
      %get3A_1534 = arith.constant 224 : index
      %get3A_1535 = tpu.vector_load %arg11[%get3A_1533, %get3A_1534] {strides = array<i32>} : memref<16x256xf32, #tpu.memory_space<vmem>>, vector<16xf32>,
      %mul3A_1536 = arith.mulf %gather3A_1459, %get3A_1535 : vector<16xf32>
      %add3A_1537 = arith.addf %add3A_1437, %mul3A_1536 : vector<16xf32>
      %get3A_1538 = arith.constant 13 : i32
      %get3A_1539 = arith.index_cast %get3A_1538 : i32 to index
      %get3A_1540 = arith.constant 224 : index
      %get3A_1541 = tpu.vector_load %arg11[%get3A_1539, %get3A_1540] {strides = array<i32>} : memref<16x256xf32, #tpu.memory_space<vmem>>, vector<16xf32>,
      %mul3A_1542 = arith.mulf %gather3A_1459, %get3A_1541 : vector<16xf32>
      %add3A_1543 = arith.addf %add3A_1443, %mul3A_1542 : vector<16xf32>
      %get3A_1544 = arith.constant 14 : i32
      %get3A_1545 = arith.index_cast %get3A_1544 : i32 to index
      %get3A_1546 = arith.constant 224 : index
      %get3A_1547 = tpu.vector_load %arg11[%get3A_1545, %get3A_1546] {strides = array<i32>} : memref<16x256xf32, #tpu.memory_space<vmem>>, vector<16xf32>,
      %mul3A_1548 = arith.mulf %gather3A_1459, %get3A_1547 : vector<16xf32>
      %add3A_1549 = arith.addf %add3A_1449, %mul3A_1548 : vector<16xf32>
      %get3A_1550 = arith.constant 15 : i32
      %get3A_1551 = arith.index_cast %get3A_1550 : i32 to index
      %get3A_1552 = arith.constant 224 : index
      %get3A_1553 = tpu.vector_load %arg11[%get3A_1551, %get3A_1552] {strides = array<i32>} : memref<16x256xf32, #tpu.memory_space<vmem>>, vector<16xf32>,
      %mul3A_1554 = arith.mulf %gather3A_1459, %get3A_1553 : vector<16xf32>
      %add3A_1555 = arith.addf %add3A_1455, %mul3A_1554 : vector<16xf32>
      %add3A_1556 = arith.constant 112 : i32
      %add3A_1557 = vector.broadcast %add3A_1556 : i32 to vector<16xi32>
      %add3A_1558 = arith.addi %add3A_25, %add3A_1557 : vector<16xi32>
      %gather3A_1559 = tpu.vector_load_idx %arg10[%add3A_1558] : memref<2048xf32, #tpu.memory_space<vmem>>[vector<16xi32>], vector<16xf32>,
      %get3A_1560 = arith.constant 0 : i32
      %get3A_1561 = arith.index_cast %get3A_1560 : i32 to index
      %get3A_1562 = arith.constant 240 : index
      %get3A_1563 = tpu.vector_load %arg11[%get3A_1561, %get3A_1562] {strides = array<i32>} : memref<16x256xf32, #tpu.memory_space<vmem>>, vector<16xf32>,
      %mul3A_1564 = arith.mulf %gather3A_1559, %get3A_1563 : vector<16xf32>
      %add3A_1565 = arith.addf %add3A_1465, %mul3A_1564 : vector<16xf32>
      %get3A_1566 = arith.constant 1 : i32
      %get3A_1567 = arith.index_cast %get3A_1566 : i32 to index
      %get3A_1568 = arith.constant 240 : index
      %get3A_1569 = tpu.vector_load %arg11[%get3A_1567, %get3A_1568] {strides = array<i32>} : memref<16x256xf32, #tpu.memory_space<vmem>>, vector<16xf32>,
      %mul3A_1570 = arith.mulf %gather3A_1559, %get3A_1569 : vector<16xf32>
      %add3A_1571 = arith.addf %add3A_1471, %mul3A_1570 : vector<16xf32>
      %get3A_1572 = arith.constant 2 : i32
      %get3A_1573 = arith.index_cast %get3A_1572 : i32 to index
      %get3A_1574 = arith.constant 240 : index
      %get3A_1575 = tpu.vector_load %arg11[%get3A_1573, %get3A_1574] {strides = array<i32>} : memref<16x256xf32, #tpu.memory_space<vmem>>, vector<16xf32>,
      %mul3A_1576 = arith.mulf %gather3A_1559, %get3A_1575 : vector<16xf32>
      %add3A_1577 = arith.addf %add3A_1477, %mul3A_1576 : vector<16xf32>
      %get3A_1578 = arith.constant 3 : i32
      %get3A_1579 = arith.index_cast %get3A_1578 : i32 to index
      %get3A_1580 = arith.constant 240 : index
      %get3A_1581 = tpu.vector_load %arg11[%get3A_1579, %get3A_1580] {strides = array<i32>} : memref<16x256xf32, #tpu.memory_space<vmem>>, vector<16xf32>,
      %mul3A_1582 = arith.mulf %gather3A_1559, %get3A_1581 : vector<16xf32>
      %add3A_1583 = arith.addf %add3A_1483, %mul3A_1582 : vector<16xf32>
      %get3A_1584 = arith.constant 4 : i32
      %get3A_1585 = arith.index_cast %get3A_1584 : i32 to index
      %get3A_1586 = arith.constant 240 : index
      %get3A_1587 = tpu.vector_load %arg11[%get3A_1585, %get3A_1586] {strides = array<i32>} : memref<16x256xf32, #tpu.memory_space<vmem>>, vector<16xf32>,
      %mul3A_1588 = arith.mulf %gather3A_1559, %get3A_1587 : vector<16xf32>
      %add3A_1589 = arith.addf %add3A_1489, %mul3A_1588 : vector<16xf32>
      %get3A_1590 = arith.constant 5 : i32
      %get3A_1591 = arith.index_cast %get3A_1590 : i32 to index
      %get3A_1592 = arith.constant 240 : index
      %get3A_1593 = tpu.vector_load %arg11[%get3A_1591, %get3A_1592] {strides = array<i32>} : memref<16x256xf32, #tpu.memory_space<vmem>>, vector<16xf32>,
      %mul3A_1594 = arith.mulf %gather3A_1559, %get3A_1593 : vector<16xf32>
      %add3A_1595 = arith.addf %add3A_1495, %mul3A_1594 : vector<16xf32>
      %get3A_1596 = arith.constant 6 : i32
      %get3A_1597 = arith.index_cast %get3A_1596 : i32 to index
      %get3A_1598 = arith.constant 240 : index
      %get3A_1599 = tpu.vector_load %arg11[%get3A_1597, %get3A_1598] {strides = array<i32>} : memref<16x256xf32, #tpu.memory_space<vmem>>, vector<16xf32>,
      %mul3A_1600 = arith.mulf %gather3A_1559, %get3A_1599 : vector<16xf32>
      %add3A_1601 = arith.addf %add3A_1501, %mul3A_1600 : vector<16xf32>
      %get3A_1602 = arith.constant 7 : i32
      %get3A_1603 = arith.index_cast %get3A_1602 : i32 to index
      %get3A_1604 = arith.constant 240 : index
      %get3A_1605 = tpu.vector_load %arg11[%get3A_1603, %get3A_1604] {strides = array<i32>} : memref<16x256xf32, #tpu.memory_space<vmem>>, vector<16xf32>,
      %mul3A_1606 = arith.mulf %gather3A_1559, %get3A_1605 : vector<16xf32>
      %add3A_1607 = arith.addf %add3A_1507, %mul3A_1606 : vector<16xf32>
      %get3A_1608 = arith.constant 8 : i32
      %get3A_1609 = arith.index_cast %get3A_1608 : i32 to index
      %get3A_1610 = arith.constant 240 : index
      %get3A_1611 = tpu.vector_load %arg11[%get3A_1609, %get3A_1610] {strides = array<i32>} : memref<16x256xf32, #tpu.memory_space<vmem>>, vector<16xf32>,
      %mul3A_1612 = arith.mulf %gather3A_1559, %get3A_1611 : vector<16xf32>
      %add3A_1613 = arith.addf %add3A_1513, %mul3A_1612 : vector<16xf32>
      %get3A_1614 = arith.constant 9 : i32
      %get3A_1615 = arith.index_cast %get3A_1614 : i32 to index
      %get3A_1616 = arith.constant 240 : index
      %get3A_1617 = tpu.vector_load %arg11[%get3A_1615, %get3A_1616] {strides = array<i32>} : memref<16x256xf32, #tpu.memory_space<vmem>>, vector<16xf32>,
      %mul3A_1618 = arith.mulf %gather3A_1559, %get3A_1617 : vector<16xf32>
      %add3A_1619 = arith.addf %add3A_1519, %mul3A_1618 : vector<16xf32>
      %get3A_1620 = arith.constant 10 : i32
      %get3A_1621 = arith.index_cast %get3A_1620 : i32 to index
      %get3A_1622 = arith.constant 240 : index
      %get3A_1623 = tpu.vector_load %arg11[%get3A_1621, %get3A_1622] {strides = array<i32>} : memref<16x256xf32, #tpu.memory_space<vmem>>, vector<16xf32>,
      %mul3A_1624 = arith.mulf %gather3A_1559, %get3A_1623 : vector<16xf32>
      %add3A_1625 = arith.addf %add3A_1525, %mul3A_1624 : vector<16xf32>
      %get3A_1626 = arith.constant 11 : i32
      %get3A_1627 = arith.index_cast %get3A_1626 : i32 to index
      %get3A_1628 = arith.constant 240 : index
      %get3A_1629 = tpu.vector_load %arg11[%get3A_1627, %get3A_1628] {strides = array<i32>} : memref<16x256xf32, #tpu.memory_space<vmem>>, vector<16xf32>,
      %mul3A_1630 = arith.mulf %gather3A_1559, %get3A_1629 : vector<16xf32>
      %add3A_1631 = arith.addf %add3A_1531, %mul3A_1630 : vector<16xf32>
      %get3A_1632 = arith.constant 12 : i32
      %get3A_1633 = arith.index_cast %get3A_1632 : i32 to index
      %get3A_1634 = arith.constant 240 : index
      %get3A_1635 = tpu.vector_load %arg11[%get3A_1633, %get3A_1634] {strides = array<i32>} : memref<16x256xf32, #tpu.memory_space<vmem>>, vector<16xf32>,
      %mul3A_1636 = arith.mulf %gather3A_1559, %get3A_1635 : vector<16xf32>
      %add3A_1637 = arith.addf %add3A_1537, %mul3A_1636 : vector<16xf32>
      %get3A_1638 = arith.constant 13 : i32
      %get3A_1639 = arith.index_cast %get3A_1638 : i32 to index
      %get3A_1640 = arith.constant 240 : index
      %get3A_1641 = tpu.vector_load %arg11[%get3A_1639, %get3A_1640] {strides = array<i32>} : memref<16x256xf32, #tpu.memory_space<vmem>>, vector<16xf32>,
      %mul3A_1642 = arith.mulf %gather3A_1559, %get3A_1641 : vector<16xf32>
      %add3A_1643 = arith.addf %add3A_1543, %mul3A_1642 : vector<16xf32>
      %get3A_1644 = arith.constant 14 : i32
      %get3A_1645 = arith.index_cast %get3A_1644 : i32 to index
      %get3A_1646 = arith.constant 240 : index
      %get3A_1647 = tpu.vector_load %arg11[%get3A_1645, %get3A_1646] {strides = array<i32>} : memref<16x256xf32, #tpu.memory_space<vmem>>, vector<16xf32>,
      %mul3A_1648 = arith.mulf %gather3A_1559, %get3A_1647 : vector<16xf32>
      %add3A_1649 = arith.addf %add3A_1549, %mul3A_1648 : vector<16xf32>
      %get3A_1650 = arith.constant 15 : i32
      %get3A_1651 = arith.index_cast %get3A_1650 : i32 to index
      %get3A_1652 = arith.constant 240 : index
      %get3A_1653 = tpu.vector_load %arg11[%get3A_1651, %get3A_1652] {strides = array<i32>} : memref<16x256xf32, #tpu.memory_space<vmem>>, vector<16xf32>,
      %mul3A_1654 = arith.mulf %gather3A_1559, %get3A_1653 : vector<16xf32>
      %add3A_1655 = arith.addf %add3A_1555, %mul3A_1654 : vector<16xf32>
      %xor3A = arith.constant 1 : i32
      %xor3A_1656 = vector.broadcast %xor3A : i32 to vector<16xi32>
      %xor3A_1657 = arith.xori %shift_right_logical3A_19, %xor3A_1656 : vector<16xi32>
      %and3A = arith.constant 1 : i32
      %and3A_1658 = vector.broadcast %and3A : i32 to vector<16xi32>
      %and3A_1659 = arith.andi %shift_right_logical3A_19, %and3A_1658 : vector<16xi32>
      %eq3A = arith.constant 0 : i32
      %eq3A_1660 = vector.broadcast %eq3A : i32 to vector<16xi32>
      %eq3A_1661 = arith.cmpi eq, %and3A_1659, %eq3A_1660 : vector<16xi32>
      %reshape3A = vector.shape_cast %xor3A_1657 : vector<16xi32> to vector<16x1xi32>
      %gather3A_1662 = vector.shape_cast %reshape3A : vector<16x1xi32> to vector<16xi32>
      %gather3A_1663 = tpu.dynamic_gather %add3A_1565[%gather3A_1662] in [0] : vector<16xf32>, vector<16xi32> -> vector<16xf32>
      %add3A_1664 = arith.addf %add3A_1565, %gather3A_1663 : vector<16xf32>
      %reshape3A_1665 = vector.shape_cast %xor3A_1657 : vector<16xi32> to vector<16x1xi32>
      %gather3A_1666 = vector.shape_cast %reshape3A_1665 : vector<16x1xi32> to vector<16xi32>
      %gather3A_1667 = tpu.dynamic_gather %add3A_1571[%gather3A_1666] in [0] : vector<16xf32>, vector<16xi32> -> vector<16xf32>
      %add3A_1668 = arith.addf %add3A_1571, %gather3A_1667 : vector<16xf32>
      %select_n3A = arith.select %eq3A_1661, %add3A_1664, %add3A_1668 : vector<16xi1>, vector<16xf32>
      %reshape3A_1669 = vector.shape_cast %xor3A_1657 : vector<16xi32> to vector<16x1xi32>
      %gather3A_1670 = vector.shape_cast %reshape3A_1669 : vector<16x1xi32> to vector<16xi32>
      %gather3A_1671 = tpu.dynamic_gather %add3A_1577[%gather3A_1670] in [0] : vector<16xf32>, vector<16xi32> -> vector<16xf32>
      %add3A_1672 = arith.addf %add3A_1577, %gather3A_1671 : vector<16xf32>
      %reshape3A_1673 = vector.shape_cast %xor3A_1657 : vector<16xi32> to vector<16x1xi32>
      %gather3A_1674 = vector.shape_cast %reshape3A_1673 : vector<16x1xi32> to vector<16xi32>
      %gather3A_1675 = tpu.dynamic_gather %add3A_1583[%gather3A_1674] in [0] : vector<16xf32>, vector<16xi32> -> vector<16xf32>
      %add3A_1676 = arith.addf %add3A_1583, %gather3A_1675 : vector<16xf32>
      %select_n3A_1677 = arith.select %eq3A_1661, %add3A_1672, %add3A_1676 : vector<16xi1>, vector<16xf32>
      %reshape3A_1678 = vector.shape_cast %xor3A_1657 : vector<16xi32> to vector<16x1xi32>
      %gather3A_1679 = vector.shape_cast %reshape3A_1678 : vector<16x1xi32> to vector<16xi32>
      %gather3A_1680 = tpu.dynamic_gather %add3A_1589[%gather3A_1679] in [0] : vector<16xf32>, vector<16xi32> -> vector<16xf32>
      %add3A_1681 = arith.addf %add3A_1589, %gather3A_1680 : vector<16xf32>
      %reshape3A_1682 = vector.shape_cast %xor3A_1657 : vector<16xi32> to vector<16x1xi32>
      %gather3A_1683 = vector.shape_cast %reshape3A_1682 : vector<16x1xi32> to vector<16xi32>
      %gather3A_1684 = tpu.dynamic_gather %add3A_1595[%gather3A_1683] in [0] : vector<16xf32>, vector<16xi32> -> vector<16xf32>
      %add3A_1685 = arith.addf %add3A_1595, %gather3A_1684 : vector<16xf32>
      %select_n3A_1686 = arith.select %eq3A_1661, %add3A_1681, %add3A_1685 : vector<16xi1>, vector<16xf32>
      %reshape3A_1687 = vector.shape_cast %xor3A_1657 : vector<16xi32> to vector<16x1xi32>
      %gather3A_1688 = vector.shape_cast %reshape3A_1687 : vector<16x1xi32> to vector<16xi32>
      %gather3A_1689 = tpu.dynamic_gather %add3A_1601[%gather3A_1688] in [0] : vector<16xf32>, vector<16xi32> -> vector<16xf32>
      %add3A_1690 = arith.addf %add3A_1601, %gather3A_1689 : vector<16xf32>
      %reshape3A_1691 = vector.shape_cast %xor3A_1657 : vector<16xi32> to vector<16x1xi32>
      %gather3A_1692 = vector.shape_cast %reshape3A_1691 : vector<16x1xi32> to vector<16xi32>
      %gather3A_1693 = tpu.dynamic_gather %add3A_1607[%gather3A_1692] in [0] : vector<16xf32>, vector<16xi32> -> vector<16xf32>
      %add3A_1694 = arith.addf %add3A_1607, %gather3A_1693 : vector<16xf32>
      %select_n3A_1695 = arith.select %eq3A_1661, %add3A_1690, %add3A_1694 : vector<16xi1>, vector<16xf32>
      %reshape3A_1696 = vector.shape_cast %xor3A_1657 : vector<16xi32> to vector<16x1xi32>
      %gather3A_1697 = vector.shape_cast %reshape3A_1696 : vector<16x1xi32> to vector<16xi32>
      %gather3A_1698 = tpu.dynamic_gather %add3A_1613[%gather3A_1697] in [0] : vector<16xf32>, vector<16xi32> -> vector<16xf32>
      %add3A_1699 = arith.addf %add3A_1613, %gather3A_1698 : vector<16xf32>
      %reshape3A_1700 = vector.shape_cast %xor3A_1657 : vector<16xi32> to vector<16x1xi32>
      %gather3A_1701 = vector.shape_cast %reshape3A_1700 : vector<16x1xi32> to vector<16xi32>
      %gather3A_1702 = tpu.dynamic_gather %add3A_1619[%gather3A_1701] in [0] : vector<16xf32>, vector<16xi32> -> vector<16xf32>
      %add3A_1703 = arith.addf %add3A_1619, %gather3A_1702 : vector<16xf32>
      %select_n3A_1704 = arith.select %eq3A_1661, %add3A_1699, %add3A_1703 : vector<16xi1>, vector<16xf32>
      %reshape3A_1705 = vector.shape_cast %xor3A_1657 : vector<16xi32> to vector<16x1xi32>
      %gather3A_1706 = vector.shape_cast %reshape3A_1705 : vector<16x1xi32> to vector<16xi32>
      %gather3A_1707 = tpu.dynamic_gather %add3A_1625[%gather3A_1706] in [0] : vector<16xf32>, vector<16xi32> -> vector<16xf32>
      %add3A_1708 = arith.addf %add3A_1625, %gather3A_1707 : vector<16xf32>
      %reshape3A_1709 = vector.shape_cast %xor3A_1657 : vector<16xi32> to vector<16x1xi32>
      %gather3A_1710 = vector.shape_cast %reshape3A_1709 : vector<16x1xi32> to vector<16xi32>
      %gather3A_1711 = tpu.dynamic_gather %add3A_1631[%gather3A_1710] in [0] : vector<16xf32>, vector<16xi32> -> vector<16xf32>
      %add3A_1712 = arith.addf %add3A_1631, %gather3A_1711 : vector<16xf32>
      %select_n3A_1713 = arith.select %eq3A_1661, %add3A_1708, %add3A_1712 : vector<16xi1>, vector<16xf32>
      %reshape3A_1714 = vector.shape_cast %xor3A_1657 : vector<16xi32> to vector<16x1xi32>
      %gather3A_1715 = vector.shape_cast %reshape3A_1714 : vector<16x1xi32> to vector<16xi32>
      %gather3A_1716 = tpu.dynamic_gather %add3A_1637[%gather3A_1715] in [0] : vector<16xf32>, vector<16xi32> -> vector<16xf32>
      %add3A_1717 = arith.addf %add3A_1637, %gather3A_1716 : vector<16xf32>
      %reshape3A_1718 = vector.shape_cast %xor3A_1657 : vector<16xi32> to vector<16x1xi32>
      %gather3A_1719 = vector.shape_cast %reshape3A_1718 : vector<16x1xi32> to vector<16xi32>
      %gather3A_1720 = tpu.dynamic_gather %add3A_1643[%gather3A_1719] in [0] : vector<16xf32>, vector<16xi32> -> vector<16xf32>
      %add3A_1721 = arith.addf %add3A_1643, %gather3A_1720 : vector<16xf32>
      %select_n3A_1722 = arith.select %eq3A_1661, %add3A_1717, %add3A_1721 : vector<16xi1>, vector<16xf32>
      %reshape3A_1723 = vector.shape_cast %xor3A_1657 : vector<16xi32> to vector<16x1xi32>
      %gather3A_1724 = vector.shape_cast %reshape3A_1723 : vector<16x1xi32> to vector<16xi32>
      %gather3A_1725 = tpu.dynamic_gather %add3A_1649[%gather3A_1724] in [0] : vector<16xf32>, vector<16xi32> -> vector<16xf32>
      %add3A_1726 = arith.addf %add3A_1649, %gather3A_1725 : vector<16xf32>
      %reshape3A_1727 = vector.shape_cast %xor3A_1657 : vector<16xi32> to vector<16x1xi32>
      %gather3A_1728 = vector.shape_cast %reshape3A_1727 : vector<16x1xi32> to vector<16xi32>
      %gather3A_1729 = tpu.dynamic_gather %add3A_1655[%gather3A_1728] in [0] : vector<16xf32>, vector<16xi32> -> vector<16xf32>
      %add3A_1730 = arith.addf %add3A_1655, %gather3A_1729 : vector<16xf32>
      %select_n3A_1731 = arith.select %eq3A_1661, %add3A_1726, %add3A_1730 : vector<16xi1>, vector<16xf32>
      %xor3A_1732 = arith.constant 2 : i32
      %xor3A_1733 = vector.broadcast %xor3A_1732 : i32 to vector<16xi32>
      %xor3A_1734 = arith.xori %shift_right_logical3A_19, %xor3A_1733 : vector<16xi32>
      %and3A_1735 = arith.constant 2 : i32
      %and3A_1736 = vector.broadcast %and3A_1735 : i32 to vector<16xi32>
      %and3A_1737 = arith.andi %shift_right_logical3A_19, %and3A_1736 : vector<16xi32>
      %eq3A_1738 = arith.constant 0 : i32
      %eq3A_1739 = vector.broadcast %eq3A_1738 : i32 to vector<16xi32>
      %eq3A_1740 = arith.cmpi eq, %and3A_1737, %eq3A_1739 : vector<16xi32>
      %reshape3A_1741 = vector.shape_cast %xor3A_1734 : vector<16xi32> to vector<16x1xi32>
      %gather3A_1742 = vector.shape_cast %reshape3A_1741 : vector<16x1xi32> to vector<16xi32>
      %gather3A_1743 = tpu.dynamic_gather %select_n3A[%gather3A_1742] in [0] : vector<16xf32>, vector<16xi32> -> vector<16xf32>
      %add3A_1744 = arith.addf %select_n3A, %gather3A_1743 : vector<16xf32>
      %reshape3A_1745 = vector.shape_cast %xor3A_1734 : vector<16xi32> to vector<16x1xi32>
      %gather3A_1746 = vector.shape_cast %reshape3A_1745 : vector<16x1xi32> to vector<16xi32>
      %gather3A_1747 = tpu.dynamic_gather %select_n3A_1677[%gather3A_1746] in [0] : vector<16xf32>, vector<16xi32> -> vector<16xf32>
      %add3A_1748 = arith.addf %select_n3A_1677, %gather3A_1747 : vector<16xf32>
      %select_n3A_1749 = arith.select %eq3A_1740, %add3A_1744, %add3A_1748 : vector<16xi1>, vector<16xf32>
      %reshape3A_1750 = vector.shape_cast %xor3A_1734 : vector<16xi32> to vector<16x1xi32>
      %gather3A_1751 = vector.shape_cast %reshape3A_1750 : vector<16x1xi32> to vector<16xi32>
      %gather3A_1752 = tpu.dynamic_gather %select_n3A_1686[%gather3A_1751] in [0] : vector<16xf32>, vector<16xi32> -> vector<16xf32>
      %add3A_1753 = arith.addf %select_n3A_1686, %gather3A_1752 : vector<16xf32>
      %reshape3A_1754 = vector.shape_cast %xor3A_1734 : vector<16xi32> to vector<16x1xi32>
      %gather3A_1755 = vector.shape_cast %reshape3A_1754 : vector<16x1xi32> to vector<16xi32>
      %gather3A_1756 = tpu.dynamic_gather %select_n3A_1695[%gather3A_1755] in [0] : vector<16xf32>, vector<16xi32> -> vector<16xf32>
      %add3A_1757 = arith.addf %select_n3A_1695, %gather3A_1756 : vector<16xf32>
      %select_n3A_1758 = arith.select %eq3A_1740, %add3A_1753, %add3A_1757 : vector<16xi1>, vector<16xf32>
      %reshape3A_1759 = vector.shape_cast %xor3A_1734 : vector<16xi32> to vector<16x1xi32>
      %gather3A_1760 = vector.shape_cast %reshape3A_1759 : vector<16x1xi32> to vector<16xi32>
      %gather3A_1761 = tpu.dynamic_gather %select_n3A_1704[%gather3A_1760] in [0] : vector<16xf32>, vector<16xi32> -> vector<16xf32>
      %add3A_1762 = arith.addf %select_n3A_1704, %gather3A_1761 : vector<16xf32>
      %reshape3A_1763 = vector.shape_cast %xor3A_1734 : vector<16xi32> to vector<16x1xi32>
      %gather3A_1764 = vector.shape_cast %reshape3A_1763 : vector<16x1xi32> to vector<16xi32>
      %gather3A_1765 = tpu.dynamic_gather %select_n3A_1713[%gather3A_1764] in [0] : vector<16xf32>, vector<16xi32> -> vector<16xf32>
      %add3A_1766 = arith.addf %select_n3A_1713, %gather3A_1765 : vector<16xf32>
      %select_n3A_1767 = arith.select %eq3A_1740, %add3A_1762, %add3A_1766 : vector<16xi1>, vector<16xf32>
      %reshape3A_1768 = vector.shape_cast %xor3A_1734 : vector<16xi32> to vector<16x1xi32>
      %gather3A_1769 = vector.shape_cast %reshape3A_1768 : vector<16x1xi32> to vector<16xi32>
      %gather3A_1770 = tpu.dynamic_gather %select_n3A_1722[%gather3A_1769] in [0] : vector<16xf32>, vector<16xi32> -> vector<16xf32>
      %add3A_1771 = arith.addf %select_n3A_1722, %gather3A_1770 : vector<16xf32>
      %reshape3A_1772 = vector.shape_cast %xor3A_1734 : vector<16xi32> to vector<16x1xi32>
      %gather3A_1773 = vector.shape_cast %reshape3A_1772 : vector<16x1xi32> to vector<16xi32>
      %gather3A_1774 = tpu.dynamic_gather %select_n3A_1731[%gather3A_1773] in [0] : vector<16xf32>, vector<16xi32> -> vector<16xf32>
      %add3A_1775 = arith.addf %select_n3A_1731, %gather3A_1774 : vector<16xf32>
      %select_n3A_1776 = arith.select %eq3A_1740, %add3A_1771, %add3A_1775 : vector<16xi1>, vector<16xf32>
      %xor3A_1777 = arith.constant 4 : i32
      %xor3A_1778 = vector.broadcast %xor3A_1777 : i32 to vector<16xi32>
      %xor3A_1779 = arith.xori %shift_right_logical3A_19, %xor3A_1778 : vector<16xi32>
      %and3A_1780 = arith.constant 4 : i32
      %and3A_1781 = vector.broadcast %and3A_1780 : i32 to vector<16xi32>
      %and3A_1782 = arith.andi %shift_right_logical3A_19, %and3A_1781 : vector<16xi32>
      %eq3A_1783 = arith.constant 0 : i32
      %eq3A_1784 = vector.broadcast %eq3A_1783 : i32 to vector<16xi32>
      %eq3A_1785 = arith.cmpi eq, %and3A_1782, %eq3A_1784 : vector<16xi32>
      %reshape3A_1786 = vector.shape_cast %xor3A_1779 : vector<16xi32> to vector<16x1xi32>
      %gather3A_1787 = vector.shape_cast %reshape3A_1786 : vector<16x1xi32> to vector<16xi32>
      %gather3A_1788 = tpu.dynamic_gather %select_n3A_1749[%gather3A_1787] in [0] : vector<16xf32>, vector<16xi32> -> vector<16xf32>
      %add3A_1789 = arith.addf %select_n3A_1749, %gather3A_1788 : vector<16xf32>
      %reshape3A_1790 = vector.shape_cast %xor3A_1779 : vector<16xi32> to vector<16x1xi32>
      %gather3A_1791 = vector.shape_cast %reshape3A_1790 : vector<16x1xi32> to vector<16xi32>
      %gather3A_1792 = tpu.dynamic_gather %select_n3A_1758[%gather3A_1791] in [0] : vector<16xf32>, vector<16xi32> -> vector<16xf32>
      %add3A_1793 = arith.addf %select_n3A_1758, %gather3A_1792 : vector<16xf32>
      %select_n3A_1794 = arith.select %eq3A_1785, %add3A_1789, %add3A_1793 : vector<16xi1>, vector<16xf32>
      %reshape3A_1795 = vector.shape_cast %xor3A_1779 : vector<16xi32> to vector<16x1xi32>
      %gather3A_1796 = vector.shape_cast %reshape3A_1795 : vector<16x1xi32> to vector<16xi32>
      %gather3A_1797 = tpu.dynamic_gather %select_n3A_1767[%gather3A_1796] in [0] : vector<16xf32>, vector<16xi32> -> vector<16xf32>
      %add3A_1798 = arith.addf %select_n3A_1767, %gather3A_1797 : vector<16xf32>
      %reshape3A_1799 = vector.shape_cast %xor3A_1779 : vector<16xi32> to vector<16x1xi32>
      %gather3A_1800 = vector.shape_cast %reshape3A_1799 : vector<16x1xi32> to vector<16xi32>
      %gather3A_1801 = tpu.dynamic_gather %select_n3A_1776[%gather3A_1800] in [0] : vector<16xf32>, vector<16xi32> -> vector<16xf32>
      %add3A_1802 = arith.addf %select_n3A_1776, %gather3A_1801 : vector<16xf32>
      %select_n3A_1803 = arith.select %eq3A_1785, %add3A_1798, %add3A_1802 : vector<16xi1>, vector<16xf32>
      %xor3A_1804 = arith.constant 8 : i32
      %xor3A_1805 = vector.broadcast %xor3A_1804 : i32 to vector<16xi32>
      %xor3A_1806 = arith.xori %shift_right_logical3A_19, %xor3A_1805 : vector<16xi32>
      %and3A_1807 = arith.constant 8 : i32
      %and3A_1808 = vector.broadcast %and3A_1807 : i32 to vector<16xi32>
      %and3A_1809 = arith.andi %shift_right_logical3A_19, %and3A_1808 : vector<16xi32>
      %eq3A_1810 = arith.constant 0 : i32
      %eq3A_1811 = vector.broadcast %eq3A_1810 : i32 to vector<16xi32>
      %eq3A_1812 = arith.cmpi eq, %and3A_1809, %eq3A_1811 : vector<16xi32>
      %reshape3A_1813 = vector.shape_cast %xor3A_1806 : vector<16xi32> to vector<16x1xi32>
      %gather3A_1814 = vector.shape_cast %reshape3A_1813 : vector<16x1xi32> to vector<16xi32>
      %gather3A_1815 = tpu.dynamic_gather %select_n3A_1794[%gather3A_1814] in [0] : vector<16xf32>, vector<16xi32> -> vector<16xf32>
      %add3A_1816 = arith.addf %select_n3A_1794, %gather3A_1815 : vector<16xf32>
      %reshape3A_1817 = vector.shape_cast %xor3A_1806 : vector<16xi32> to vector<16x1xi32>
      %gather3A_1818 = vector.shape_cast %reshape3A_1817 : vector<16x1xi32> to vector<16xi32>
      %gather3A_1819 = tpu.dynamic_gather %select_n3A_1803[%gather3A_1818] in [0] : vector<16xf32>, vector<16xi32> -> vector<16xf32>
      %add3A_1820 = arith.addf %select_n3A_1803, %gather3A_1819 : vector<16xf32>
      %select_n3A_1821 = arith.select %eq3A_1812, %add3A_1816, %add3A_1820 : vector<16xi1>, vector<16xf32>
      %get3A_1822 = arith.constant 0 : index
      %get3A_1823 = tpu.vector_load %arg12[%get3A_1822] {strides = array<i32>} : memref<16xf32, #tpu.memory_space<vmem>>, vector<16xf32>,
      %add3A_1824 = arith.addf %select_n3A_1821, %get3A_1823 : vector<16xf32>
      %swap3A = arith.constant 0 : index
      %swap3A_1825 = tpu.vector_load %arg13[%swap3A] {strides = array<i32>} : memref<16xf32, #tpu.memory_space<vmem>>, vector<16xf32>,
      tpu.vector_store %arg13[%swap3A], %add3A_1824 {strides = array<i32>} : memref<16xf32, #tpu.memory_space<vmem>>, vector<16xf32>,
      "tpu.region"() ({
        %run_scoped3A = tpu.sem_alloc : memref<!tpu.dma_semaphore, #tpu.memory_space<semaphore_mem>>
        %dma_start3A_1826 = tpu.memref_slice %arg7[%mul3A_2] : memref<128xf32, #tpu.memory_space<hbm>> -> memref<16xf32, #tpu.memory_space<hbm>>
        %dma_start3A_1827 = tpu.memref_slice %arg7[%mul3A_2] : memref<128xf32, #tpu.memory_space<hbm>> -> memref<16xf32, #tpu.memory_space<hbm>>
        tpu.enqueue_dma source(%arg13 : memref<16xf32, #tpu.memory_space<vmem>>) target(%dma_start3A_1827 : memref<16xf32, #tpu.memory_space<hbm>>) target_semaphore(%run_scoped3A : memref<!tpu.dma_semaphore, #tpu.memory_space<semaphore_mem>>)
        %dma_wait3A_1828 = tpu.memref_slice %arg7[%mul3A_2] : memref<128xf32, #tpu.memory_space<hbm>> -> memref<16xf32, #tpu.memory_space<hbm>>
        %dma_wait3A_1829 = tpu.memref_slice %arg7[%mul3A_2] : memref<128xf32, #tpu.memory_space<hbm>> -> memref<16xf32, #tpu.memory_space<hbm>>
        tpu.wait_dma2 semaphore(%run_scoped3A : memref<!tpu.dma_semaphore, #tpu.memory_space<semaphore_mem>>) src(%arg13 : memref<16xf32, #tpu.memory_space<vmem>>) dst(%dma_wait3A_1829 : memref<16xf32, #tpu.memory_space<hbm>>)
        tpu.yield
      }) : () -> ()
    } else {
    }
    return
  }
}

</mosaic_0001>

<sc_bundles>
// kernel: kernel.3.cloned.1.call-start
scs
__scs_entry_jumppad:
0x0: {  	(pc) =	sbr.rel $0x88, $3  }
0x1: {  	(tag) =	ssettag $0x0;
	lr =	simm.s32 $0x1  }
0x2: {  	[smem:$0x3F9B] =	sst lr;
	_ =	strace $0xD0000000  }
0x3: {  	_ = 	snop  }
0x4: {  	_ = 	snop  }
0x5: {  	_ = 	snop  }
0x6: {  	_ = 	snop  }
0x7: {  	_ = 	snop  }
__scs_overlays_trampoline_lowered:
0x8: {  	[smem:$0x3FAA] =	sst s0  }
0x9: {  	[smem:$0x3FAB] =	sst s1  }
0xa: {  	[smem:$0x3FAC] =	sst s2  }
0xb: {  	[smem:$0x3FAD] =	sst s3  }
0xc: {  	[smem:$0x3FAE] =	sst s4  }
0xd: {  	[smem:$0x3FAF] =	sst s5  }
0xe: {  	[smem:$0x3FB0] =	sst s6  }
0xf: {  	[smem:$0x3FB1] =	sst s7  }
0x10: {  	[smem:$0x3FB2] =	sst s8  }
0x11: {  	[smem:$0x3FB3] =	sst s9;
	s0 =	simm.s32 @!p0 $0x0  }
0x12: {  	s1 =	sld [smem:$0x3F99];
	s0 =	simm.s32 @p0 $0x1  }
0x13: {  	[smem:$0x3FB4] =	sst s0;
	s0 =	simm.s32 @!p1 $0x0  }
0x14: {  	s2 =	sld [smem:$0x3F98];
	s0 =	simm.s32 @p1 $0x1  }
0x15: {  	[smem:$0x3FB5] =	sst s0;
	s0 =	simm.s32 @!p2 $0x0  }
0x16: {  	s3 =	sld [smem:$0x3FDB];
	s0 =	simm.s32 @p2 $0x1  }
0x17: {  	s4 =	simm.s32 $0x1BF5;
	[smem:$0x3FB7] =	sst s0  }
0x18: {  	s0 =	sld [smem:$0x3F9A];
	_ =	swait.ge [sflag:s4], $0x0  }
0x19: {  	s7 =	sld [smem:$0x3F9B]  }
0x1a: {  	s8 =	sadd.s32 $0xFFFFE003, lr  }
0x1b: {  	s9 =	sadd.s32 $0xFFFFFEF7, lr;
	s5 =	simm.s32 $0xFFFFFFFF;
	p2 =	slt.u32 s8, $0xFFFFF086  }
0x1c: {  	p1 =	slt.u32 s9, $0xF7A;
	s5 =	simm.s32 @!p2 $0x0  }
0x1d: {  	s5 =	simm.s32 @p1 $0x1;
	p0 =	seq.s32 s7, s2  }
0x1e: {  	s7 =	smul.u32 @!p0 $0xF7A, s2;
	p2 =	seq.s32 @!p0 s5, $0x0  }
0x1f: {  	s9 =	smul.u32 $0xF7A, s1;
	s8 =	simm.s32 @!p0 $0x1BF5;
	p2 =	por !p2, p0  }
0x20: {  	[sflag:s8] =	ssyncset.s32 @!p0 $0xFFFFF086;
	s6 =	sadd.s32 @!p0 s3, s7;
	s7 =	simm.s32 @!p0 $0x108  }
0x21: {  	s3 =	sadd.s32 s3, s9;
	s6 =	sadd.s32 @!p0 $0x88, s6;
	s7 =	simm.s32 @p2 $0x1082  }
0x22: {  	[simem:s7], [sflag:s8] =	dma.local @!p0 [hbm:s6], $0xF7A  }
0x23: {  	s9 =	sor.u32 $0xD0000000, s2;
	s6 =	simm.s32 $0x108;
	_ =	swait.ge @!p0 [sflag:s8], $0x0  }
0x24: {  	s3 =	sadd.s32 $0x88, s3;
	s6 =	simm.s32 @!p1 $0x1082;
	[sflag:s4] =	ssyncset.s32 $0xFFFFF086  }
0x25: {  	[simem:s6], [sflag:s4] =	dma.local [hbm:s3], $0xF7A  }
0x26: {  	[smem:$0x3F9B] =	sst s1;
	(tag) =	ssettag s2;
	_ =	strace s9  }
0x27: {  	s1 =	sld [smem:$0x3FAB]  }
0x28: {  	s2 =	sld [smem:$0x3FAC]  }
0x29: {  	s4 =	sld [smem:$0x3FAE]  }
0x2a: {  	p0 =	seq.s32 s5, $0x0;
	s5 =	sld [smem:$0x3FAF]  }
0x2b: {  	s6 =	sld [smem:$0x3FB0]  }
0x2c: {  	s7 =	sld [smem:$0x3FB1]  }
0x2d: {  	s3 =	simm.s32 $0x108;
	s8 =	sld [smem:$0x3FB2]  }
0x2e: {  	s3 =	simm.s32 @!p0 $0x1082;
	s9 =	sld [smem:$0x3FB3]  }
0x2f: {  	lr =	sadd.s32 s0, s3;
	s0 =	sld [smem:$0x3FAA]  }
0x30: {  	s3 =	sld [smem:$0x3FAD]  }
0x31: {  	[smem:$0x3FB6] =	sst s10  }
0x32: {  	s10 =	sld [smem:$0x3FB4];
	_ =	sdelay $0x3  }
0x33: {  	p0 =	seq.s32 s10, $0x1;
	s10 =	sld [smem:$0x3FB6];
	_ =	sdelay $0x3  }
0x34: {  	[smem:$0x3FB6] =	sst s10  }
0x35: {  	s10 =	sld [smem:$0x3FB5];
	_ =	sdelay $0x3  }
0x36: {  	p1 =	seq.s32 s10, $0x1;
	s10 =	sld [smem:$0x3FB6];
	_ =	sdelay $0x3  }
0x37: {  	[smem:$0x3FB6] =	sst s10  }
0x38: {  	s10 =	sld [smem:$0x3FB7]  }
0x39: {  	_ = 	snop;
	(pc) =	sbr.ind lr, $3  }
0x3a: {  	_ = 	snop  }
0x3b: {  	_ = 	snop  }
0x3c: {  	p2 =	seq.s32 s10, $0x1;
	s10 =	sld [smem:$0x3FB6]  }
0x3d: {  	_ =	shalt  }
0x3e: {  	_ =	shalt  }
0x3f: {  	_ =	shalt  }
0x40: {  	_ =	shalt  }
0x41: {  	_ =	shalt  }
0x42: {  	_ =	shalt  }
0x43: {  	_ =	shalt  }
0x44: {  	_ =	shalt  }
0x45: {  	_ =	shalt  }
0x46: {  	_ =	shalt  }
0x47: {  	_ =	shalt  }
0x48: {  	_ =	shalt  }
0x49: {  	_ =	shalt  }
0x4a: {  	_ =	shalt  }
0x4b: {  	_ =	shalt  }
0x4c: {  	_ =	shalt  }
0x4d: {  	_ =	shalt  }
0x4e: {  	_ =	shalt  }
0x4f: {  	_ =	shalt  }
0x50: {  	_ =	shalt  }
0x51: {  	_ =	shalt  }
0x52: {  	_ =	shalt  }
0x53: {  	_ =	shalt  }
0x54: {  	_ =	shalt  }
0x55: {  	_ =	shalt  }
0x56: {  	_ =	shalt  }
0x57: {  	_ =	shalt  }
0x58: {  	_ =	shalt  }
0x59: {  	_ =	shalt  }
0x5a: {  	_ =	shalt  }
0x5b: {  	_ =	shalt  }
0x5c: {  	_ =	shalt  }
0x5d: {  	_ =	shalt  }
0x5e: {  	_ =	shalt  }
0x5f: {  	_ =	shalt  }
0x60: {  	_ =	shalt  }
0x61: {  	_ =	shalt  }
0x62: {  	_ =	shalt  }
0x63: {  	_ =	shalt  }
0x64: {  	_ =	shalt  }
0x65: {  	_ =	shalt  }
0x66: {  	_ =	shalt  }
0x67: {  	_ =	shalt  }
0x68: {  	_ =	shalt  }
0x69: {  	_ =	shalt  }
0x6a: {  	_ =	shalt  }
0x6b: {  	_ =	shalt  }
0x6c: {  	_ =	shalt  }
0x6d: {  	_ =	shalt  }
0x6e: {  	_ =	shalt  }
0x6f: {  	_ =	shalt  }
0x70: {  	_ =	shalt  }
0x71: {  	_ =	shalt  }
0x72: {  	_ =	shalt  }
0x73: {  	_ =	shalt  }
0x74: {  	_ =	shalt  }
0x75: {  	_ =	shalt  }
0x76: {  	_ =	shalt  }
0x77: {  	_ =	shalt  }
0x78: {  	_ =	shalt  }
0x79: {  	_ =	shalt  }
0x7a: {  	_ =	shalt  }
0x7b: {  	_ =	shalt  }
0x7c: {  	_ =	shalt  }
0x7d: {  	_ =	shalt  }
0x7e: {  	_ =	shalt  }
0x7f: {  	_ =	shalt  }
0x80: {  	_ =	shalt  }
0x81: {  	_ =	shalt  }
0x82: {  	_ =	shalt  }
0x83: {  	_ =	shalt  }
0x84: {  	_ =	shalt  }
0x85: {  	_ =	shalt  }
0x86: {  	_ =	shalt  }
0x87: {  	_ =	shalt  }
.Lfunc_end0:
.L_simem_size_0:
called_computation_lowered:
.L_overlay_start_0:
0x88: {  	s0 =	sld [smem:$0x3FD9]  }
0x89: {  	s1 =	sld [smem:$0x3FFE];
	_ =	sdelay $0x3  }
0x8a: {  	s0 =	sadd.s32 s1, s0  }
0x8b: {  	[smem:$0x3FC2] =	sst s0  }
0x8c: {  	_ = 	snop  }
0x8d: {  	s0 =	sld [smem:$0x3FC7]  }
0x8e: {  	s16 =	sld [smem:$0x3FC6]  }
0x8f: {  	s2 =	sld [smem:$0x3FC5]  }
0x90: {  	s3 =	sld [smem:$0x3FC4]  }
0x91: {  	s4 =	sld [smem:$0x3FD0];
	(tm) =	ssettm $0x1  }
0x92: {  	s5 =	sld [smem:$0x3FFB];
	_ =	sdelay $0x3  }
0x93: {  	_ =	strace s5  }
0x94: {  	s5 =	sld [smem:$0x3FFC];
	_ =	sdelay $0x3  }
0x95: {  	_ =	strace s5  }
0x96: {  	s5 =	sld [smem:$0x3FFD];
	_ =	sdelay $0x3  }
0x97: {  	_ =	strace s5  }
0x98: {  	_ =	strace $0x8FFFFFFF  }
0x99: {  	s17 =	sld [smem:$0x3FDB];
	_ =	sdelay $0x1  }
0x9a: {  	s6 =	simm.s32 $_scs_section_size  }
0x9b: {  	s7 =	simm.s32 $_size__tile_overlayer_lowered;
	s8 =	simm.s32 $_tile_overlayer_lowered  }
0x9c: {  	s20 =	simm.s32 $0x1BFF;
	s19 =	sshll.u32 s8, $0x1;
	s5 =	sadd.s32 s6, s17  }
0x9d: {  	s9 =	simm.s32 $0x0;
	s18 =	sshll.u32 s7, $0x1;
	s7 =	sadd.s32 s19, s5  }
0x9e: {  	[timem:s9], [sflag:s20] =	dma.local [hbm:s7], s18  }
0x9f: {  	_ =	swait.ge [sflag:s20], s18  }
0xa0: {  	s6 =	ssub.s32 $0x0, s18;
	[sflag:s20] =	ssyncset.done $0x0  }
0xa1: {  	[sflag:s20] =	ssyncadd.s32 s6;
	_ =	sdelay $0x1  }
0xa2: {  	s21 =	simm.s32 $0x1B8B  }
0xa3: {  	_ =	swait.ge [sflag:s21], $0x1  }
0xa4: {  	[sflag:s21] =	ssyncset.done $0x0  }
0xa5: {  	s23 =	simm.s32 $0x1B8E;
	s22 =	sld [smem:$0x3FFE];
	[sflag:s21] =	ssyncadd.s32 $0xFFFFFFFF  }
0xa6: {  	s24 =	simm.s32 $execute0_lowered;
	[smem:$0x3FD2] =	sst s23  }
0xa7: {  	s7 =	sshll.u32 s24, $0x1;
	_ =	strace $0x80000046;
	[dreg:$0x1] =	wrdreg $0xFFFFFFFF  }
0xa8: {  	s25 =	simm.s32 $_size_execute0_lowered;
	s5 =	sadd.s32 s5, s7;
	[dreg:$0x0] =	wrdreg $0x0  }
0xa9: {  	s7 =	sshll.u32 s25, $0x1;
	[dreg:$0x2] =	wrdreg s5  }
0xaa: {  	[dreg:$0x3] =	wrdreg s7  }
0xab: {  	[dreg:$0x4] =	wrdreg $0xC0  }
0xac: {  	_ =	task [dreg:s9], $0x5FFFF  }
0xad: {  	[dreg:$0x1] =	wrdreg $0xFFFFFFFF  }
0xae: {  	[dreg:$0x0] =	wrdreg $0x60  }
0xaf: {  	[dreg:$0x2] =	wrdreg s22  }
0xb0: {  	[dreg:$0x3] =	wrdreg s0  }
0xb1: {  	[dreg:$0x4] =	wrdreg s16  }
0xb2: {  	[dreg:$0x5] =	wrdreg s2  }
0xb3: {  	[dreg:$0x6] =	wrdreg s3  }
0xb4: {  	[dreg:$0x7] =	wrdreg s4  }
0xb5: {  	[dreg:$0x8] =	wrdreg $0x9  }
0xb6: {  	_ =	task.clear_ibuf [dreg:s9], $0x9FFFF;
	_ =	strace $0x90000046  }
0xb7: {  	s26 =	simm.s32 $0x9;
	_ =	strace $0x80000048  }
0xb8: {  	_ =	swait.ge [sflag:s26], $0x1  }
0xb9: {  	[sflag:s26] =	ssyncadd.s32 $0xFFFFFFFF  }
0xba: {  	_ =	strace $0x90000048  }
0xbb: {  	_ =	sfence  }
0xbc: {  	s28 =	sld [smem:$0x0];
	_ =	sdelay $0x1  }
0xbd: {  	s29 =	srdreg.scid  }
0xbe: {  	s30 =	sshll.u32 s29, $0xD;
	s31 =	sshrl.u32 s29, $0x2  }
0xbf: {  	s1 =	sand.u32 $0x1, s29;
	s2 =	sand.u32 $0x4000, s30;
	s0 =	sadd.s32 s31, s28  }
0xc0: {  	s1 =	sor.u32 s2, s1;
	s0 =	sshll.u32 s0, $0x11  }
0xc1: {  	s0 =	sor.u32 s0, s1  }
0xc2: {  	s0 =	sadd.s32 $0x8F2B, s0  }
0xc3: {  	[sflag:s0] =	ssyncadd.remote.s32 $0x1  }
0xc4: {  	_ =	sfence.sel $0xFFFF  }
0xc5: {  	[dreg:$0x0] =	wrdreg $0xFFFFFFFF;
	(pc) =	sbr.abs _section_cstart, $3  }
0xc6: {  	[dreg:$0x1] =	wrdreg $0xFFFFFFFF  }
0xc7: {  	_ =	task.clear_ibuf [dreg:s9], $0x2FFFF;
	_ =	strace $0x9FFFFFFF  }
0xc8: {  	(tm) =	ssettm $0x7FFFFFFF  }
0xc9: {  	_ =	shalt  }
tec
execute0_lowered:
.L_overlay_start_1:
0x0: {  	(tag) =	ssettag $0x1  }
0x1: {  	s6 =	rddreg [dreg:$0x0]  }
0x2: {  	s5 =	rddreg [dreg:$0x1];
	s1 =	stileid.u32  }
0x3: {  	s4 =	rddreg [dreg:$0x2];
	p0 =	sgt.u32 s1, $0x7  }
.Ltmp0:
0x4: {  	s8 =	rddreg [dreg:$0x3];
	(pc) =	sbr.rel @p0 .LBB2_2-.Ltmp0, $4  }
0x5: {  	s7 =	rddreg [dreg:$0x4]  }
0x6: {  	s3 =	rddreg [dreg:$0x5];
	s2 =	simm.s32 $0x0  }
0x7: {  	[smem:$0x7FF] =	sst s2  }
0x8: {  	s0 =	rddreg [dreg:$0x6];
	_ =	strace $0x80000047  }
0x9: {  	s6 =	sadd.s32 $0x400, s6  }
0xa: {  	[tilespmem:s2], [sflag:$0x1] =	stream.linear.gather [hbm4b:s6+s2], $0x80, $0x38;
	[tilespmem:$0x3980] =	vst v63  }
0xb: {  	s23 =	simm.s32 $0x80  }
0xc: {  	[tilespmem:s23], [sflag:$0x1] =	stream.linear.gather [hbm4b:s5+s2], $0x2000, $0x38;
	[tilespmem:$0x3980] =	vst v63  }
0xd: {  	s9 =	sshll.u32 s1, $0x9;
	s24 =	simm.s32 $0x2080  }
0xe: {  	[tilespmem:s24], [sflag:$0x1] =	stream.linear.gather [hbm4b:s4+s2], $0x800, $0x38;
	[tilespmem:$0x3980] =	vst v63  }
0xf: {  	s25 =	sshll.u32 s1, $0x1;
	s26 =	simm.s32 $0x2880;
	s8 =	sadd.s32 s8, s9  }
0x10: {  	[tilespmem:s26], [sflag:$0x1] =	stream.linear.gather [hbm4b:s8+s2], $0x1000, $0x38;
	[tilespmem:$0x3980] =	vst v63  }
0x11: {  	s28 =	simm.s32 $0x3880;
	s29 =	simm.s32 $0x1;
	s7 =	sadd.s32 s7, s25  }
0x12: {  	[tilespmem:s28], [sflag:$0x1] =	stream.linear.gather [hbm4b:s7+s2], $0x10, $0x38;
	[tilespmem:$0x3980] =	vst v63  }
0x13: {  	_ =	swait.ge [sflag:s29], $0x80  }
0x14: {  	[sflag:s29] =	ssyncset.done $0x0  }
0x15: {  	[sflag:s29] =	ssyncadd.s32 $0xFFFFFF80  }
0x16: {  	_ =	swait.ge [sflag:s29], $0x2000  }
0x17: {  	[sflag:s29] =	ssyncset.done $0x0  }
0x18: {  	[sflag:s29] =	ssyncadd.s32 $0xFFFFE000  }
0x19: {  	_ =	swait.ge [sflag:s29], $0x800  }
0x1a: {  	[sflag:s29] =	ssyncset.done $0x0  }
0x1b: {  	[sflag:s29] =	ssyncadd.s32 $0xFFFFF800  }
0x1c: {  	_ =	swait.ge [sflag:s29], $0x1000  }
0x1d: {  	[sflag:s29] =	ssyncset.done $0x0  }
0x1e: {  	[sflag:s29] =	ssyncadd.s32 $0xFFFFF000  }
0x1f: {  	_ =	swait.ge [sflag:s29], $0x10  }
0x20: {  	[sflag:s29] =	ssyncset.done $0x0  }
0x21: {  	[sflag:s29] =	ssyncadd.s32 $0xFFFFFFF0  }
0x22: {  	v0 =	vld [tilespmem:$0x0]  }
0x23: {  	v1 =	vld [tilespmem:$0x20]  }
0x24: {  	v2 =	vld [tilespmem:$0x10]  }
0x25: {  	v14 =	vld [tilespmem:$0x2880]  }
0x26: {  	v15 =	vld [tilespmem:$0x2900]  }
0x27: {  	v17 =	vld [tilespmem:$0x2980]  }
0x28: {  	v18 =	vld [tilespmem:$0x2A00]  }
0x29: {  	v19 =	vld [tilespmem:$0x2A80]  }
0x2a: {  	v25 =	vld [tilespmem:$0x2B00]  }
0x2b: {  	v26 =	vld [tilespmem:$0x2B80]  }
0x2c: {  	v27 =	vld [tilespmem:$0x2C00]  }
0x2d: {  	v28 =	vld [tilespmem:$0x3080]  }
0x2e: {  	v59 =	vld [tilespmem:$0x3100]  }
0x2f: {  	v63 =	vld [tilespmem:$0x3180]  }
0x30: {  	v33 =	vld [tilespmem:$0x3200]  }
0x31: {  	v37 =	vld [tilespmem:$0x3280]  }
0x32: {  	v36 =	vld [tilespmem:$0x3300]  }
0x33: {  	v45 =	vld [tilespmem:$0x3380]  }
0x34: {  	v44 =	vld [tilespmem:$0x3400]  }
0x35: {  	v11 =	vld [tilespmem:$0x2910]  }
0x36: {  	v12 =	vld [tilespmem:$0x2990]  }
0x37: {  	v13 =	vld [tilespmem:$0x2A10]  }
0x38: {  	v16 =	vld [tilespmem:$0x2A90]  }
0x39: {  	v20 =	vld [tilespmem:$0x2B10]  }
0x3a: {  	v23 =	vld [tilespmem:$0x2B90];
	v8 =	vshrl.u32 v1, $0x8;
	v2 =	vshll.u32 v2, $0x7  }
0x3b: {  	v21 =	vld [tilespmem:$0x2C10];
	v42 =	vadd.s32 v2, v8  }
0x3c: {  	v5 =	vld [tilespmem:$0x32A0];
	v2 =	vadd.s32 $0x20, v42  }
0x3d: {  	v24 =	vld [tilespmem:$0x3090]  }
0x3e: {  	v29 =	vld [tilespmem:$0x3110]  }
0x3f: {  	v30 =	vld [tilespmem:$0x3190]  }
0x40: {  	v31 =	vld [tilespmem:$0x3210]  }
0x41: {  	[tilespmem:$0x1FA20] =	vst v5;
	v5 =	vld.idx.msk [tilespmem:v2+s24+$0x0], $0xffff  }
0x42: {  	v2 =	vld [tilespmem:$0x2BB0]  }
0x43: {  	v34 =	vld [tilespmem:$0x3290]  }
0x44: {  	v40 =	vld [tilespmem:$0x3310]  }
0x45: {  	v38 =	vld [tilespmem:$0x3390]  }
0x46: {  	v53 =	vld [tilespmem:$0x3410]  }
0x47: {  	[tilespmem:$0x1FA70] =	vst v2;
	v2 =	vld [tilespmem:$0x30B0]  }
0x48: {  	v51 =	vld [tilespmem:$0x28A0]  }
0x49: {  	v49 =	vld [tilespmem:$0x2920]  }
0x4a: {  	v54 =	vld [tilespmem:$0x29A0]  }
0x4b: {  	v41 =	vld [tilespmem:$0x2A20]  }
0x4c: {  	[tilespmem:$0x1FA80] =	vst v2;
	v2 =	vld [tilespmem:$0x3130]  }
0x4d: {  	v55 =	vld [tilespmem:$0x2AA0]  }
0x4e: {  	v61 =	vld [tilespmem:$0x2B20]  }
0x4f: {  	v57 =	vld [tilespmem:$0x2BA0]  }
0x50: {  	v60 =	vld [tilespmem:$0x2C20]  }
0x51: {  	[tilespmem:$0x1FA90] =	vst v2;
	v2 =	vld [tilespmem:$0x31B0]  }
0x52: {  	v48 =	vld [tilespmem:$0x30A0]  }
0x53: {  	v56 =	vld [tilespmem:$0x3120]  }
0x54: {  	v62 =	vld [tilespmem:$0x31A0]  }
0x55: {  	v58 =	vld [tilespmem:$0x3220]  }
0x56: {  	[tilespmem:$0x1FAA0] =	vst v2;
	v2 =	vld [tilespmem:$0x3230]  }
0x57: {  	v10 =	vld [tilespmem:$0x3320]  }
0x58: {  	v47 =	vld [tilespmem:$0x28B0];
	v0 =	vshll.u32 v0, $0x7  }
0x59: {  	v6 =	vld [tilespmem:$0x33A0];
	v3 =	vadd.s32 v0, v8  }
0x5a: {  	v7 =	vld [tilespmem:$0x3420];
	v0 =	vadd.s32 $0x10, v3  }
0x5b: {  	[tilespmem:$0x1FAB0] =	vst v2;
	v2 =	vld [tilespmem:$0x32B0]  }
0x5c: {  	[tilespmem:$0x1FFF0] =	vst v1;
	v1 =	vld [tilespmem:$0x2890];
	v9 =	vadd.s32 $0x20, v3  }
0x5d: {  	[tilespmem:$0x1FA60] =	vst v47;
	v47 =	vld [tilespmem:$0x2A30];
	v4 =	vadd.s32 $0x30, v3  }
0x5e: {  	v32 =	vadd.s32 $0x40, v3;
	v22 =	vld.idx.msk [tilespmem:v3+s23+$0x0], $0xffff  }
0x5f: {  	v35 =	vadd.s32 $0x50, v3;
	v50 =	vld.idx.msk [tilespmem:v0+s23+$0x0], $0xffff  }
0x60: {  	[tilespmem:$0x1FAC0] =	vst v2;
	v2 =	vld [tilespmem:$0x3330]  }
0x61: {  	v46 =	vadd.s32 $0x60, v3;
	v0 =	vld.idx.msk [tilespmem:v9+s23+$0x0], $0xffff  }
0x62: {  	v52 =	vadd.s32 $0x10, v42;
	v39 =	vld.idx.msk [tilespmem:v4+s23+$0x0], $0xffff  }
0x63: {  	[tilespmem:$0x1FA30] =	vst v10;
	v43 =	vadd.s32 $0x30, v42;
	v10 =	vld.idx.msk [tilespmem:v32+s23+$0x0], $0xffff  }
0x64: {  	v9 =	vld.idx.msk [tilespmem:v35+s23+$0x0], $0xffff  }
0x65: {  	[tilespmem:$0x1FAD0] =	vst v2;
	v2 =	vld [tilespmem:$0x33B0]  }
0x66: {  	[tilespmem:$0x1FFE0] =	vst v8;
	v8 =	vld.idx.msk [tilespmem:v46+s23+$0x0], $0xffff  }
0x67: {  	[tilespmem:$0x1FA40] =	vst v6;
	v6 =	vld.idx.msk [tilespmem:v52+s24+$0x0], $0xffff  }
0x68: {  	v3 =	vadd.s32 $0x70, v3;
	v32 =	vld.idx.msk [tilespmem:v43+s24+$0x0], $0xffff  }
0x69: {  	v43 =	vld [tilespmem:$0x2930]  }
0x6a: {  	v14 =	vmul.f32 v14, v22;
	[tilespmem:$0x1FAE0] =	vst v2;
	v2 =	vld [tilespmem:$0x3430]  }
0x6b: {  	v52 =	vld [tilespmem:$0x2AB0];
	v15 =	vmul.f32 v15, v22  }
0x6c: {  	v4 =	vld [tilespmem:$0x2B30];
	v1 =	vmul.f32 v1, v50;
	v14 =	vadd.f32 $0.0e+00, v14  }
0x6d: {  	[tilespmem:$0x1FA50] =	vst v7;
	v7 =	vld.idx.msk [tilespmem:v3+s23+$0x0], $0xffff;
	v17 =	vmul.f32 v17, v22;
	v11 =	vmul.f32 v11, v50;
	v15 =	vadd.f32 $0.0e+00, v15  }
0x6e: {  	v1 =	vadd.f32 v1, v14;
	v14 =	vmul.f32 v18, v22;
	v18 =	vld [tilespmem:$0x28E0]  }
0x6f: {  	v12 =	vmul.f32 v12, v50;
	v11 =	vadd.f32 v11, v15;
	v15 =	vadd.f32 $0.0e+00, v17;
	[tilespmem:$0x1FAF0] =	vst v2;
	v2 =	vld [tilespmem:$0x28C0]  }
0x70: {  	v17 =	vmul.f32 v19, v22;
	v19 =	vld [tilespmem:$0x29E0]  }
0x71: {  	v12 =	vadd.f32 v12, v15;
	v15 =	vld [tilespmem:$0x2AE0]  }
0x72: {  	v46 =	vadd.s32 $0x40, v42;
	v3 =	vld [tilespmem:$0x2C30]  }
0x73: {  	[tilespmem:$0x1FD00] =	vst v18;
	v18 =	vld [tilespmem:$0x2960]  }
0x74: {  	v16 =	vmul.f32 v16, v50;
	v17 =	vadd.f32 $0.0e+00, v17;
	[tilespmem:$0x1FB00] =	vst v2;
	v2 =	vld [tilespmem:$0x2940]  }
0x75: {  	[tilespmem:$0x1FD20] =	vst v19;
	v19 =	vld [tilespmem:$0x2B60]  }
0x76: {  	[tilespmem:$0x1FD40] =	vst v15;
	v15 =	vadd.f32 v16, v17;
	v17 =	vmul.f32 v27, v22;
	v27 =	vld [tilespmem:$0x2BE0]  }
0x77: {  	v26 =	vmul.f32 v26, v22;
	v35 =	vld.idx.msk [tilespmem:v46+s24+$0x0], $0xffff;
	v13 =	vmul.f32 v13, v50;
	v14 =	vadd.f32 $0.0e+00, v14  }
0x78: {  	v63 =	vmul.f32 v63, v22;
	[tilespmem:$0x1FD10] =	vst v18;
	v18 =	vmul.f32 v25, v22;
	v25 =	vld [tilespmem:$0x2A60]  }
0x79: {  	v13 =	vadd.f32 v13, v14;
	[tilespmem:$0x1FB10] =	vst v2;
	v2 =	vld [tilespmem:$0x29C0]  }
0x7a: {  	v46 =	vld [tilespmem:$0x29B0];
	v14 =	vadd.f32 $0.0e+00, v26;
	v26 =	vmul.f32 v20, v50;
	[tilespmem:$0x1FD50] =	vst v19;
	v19 =	vadd.f32 $0.0e+00, v63  }
0x7b: {  	v63 =	vmul.f32 v29, v50;
	v29 =	vld [tilespmem:$0x1FA50];
	v16 =	vadd.f32 $0.0e+00, v18;
	[tilespmem:$0x1FD60] =	vst v27;
	v27 =	vmul.f32 v59, v22  }
0x7c: {  	v59 =	vld [tilespmem:$0x3160]  }
0x7d: {  	v16 =	vadd.f32 v26, v16;
	v26 =	vld [tilespmem:$0x30E0];
	v20 =	vadd.f32 $0.0e+00, v27;
	[tilespmem:$0x1FD30] =	vst v25  }
0x7e: {  	v27 =	vmul.f32 v45, v22;
	v25 =	vmul.f32 v28, v22;
	[tilespmem:$0x1FB20] =	vst v2;
	v2 =	vld [tilespmem:$0x2A40]  }
0x7f: {  	v45 =	vld [tilespmem:$0x3360];
	v28 =	vmul.f32 v23, v50;
	v20 =	vadd.f32 v63, v20;
	v63 =	vmul.f32 v34, v50  }
0x80: {  	v23 =	vld [tilespmem:$0x2C60];
	v34 =	vmul.f32 v40, v50;
	v40 =	vmul.f32 v51, v0  }
0x81: {  	v51 =	vmul.f32 v41, v0;
	v41 =	vmul.f32 v62, v0;
	v62 =	vld [tilespmem:$0x1FA40]  }
0x82: {  	v14 =	vadd.f32 v28, v14;
	v28 =	vmul.f32 v33, v22;
	v33 =	vld [tilespmem:$0x31E0]  }
0x83: {  	[tilespmem:$0x1FB30] =	vst v2;
	v2 =	vld [tilespmem:$0x2AC0]  }
0x84: {  	[tilespmem:$0x1FD90] =	vst v59;
	v59 =	vld [tilespmem:$0x3260]  }
0x85: {  	v18 =	vadd.f32 $0.0e+00, v25;
	v25 =	vmul.f32 v24, v50;
	v24 =	vmul.f32 v36, v22;
	v36 =	vld [tilespmem:$0x32E0]  }
0x86: {  	v1 =	vadd.f32 v40, v1;
	v40 =	vld [tilespmem:$0x30F0]  }
0x87: {  	v13 =	vadd.f32 v51, v13;
	v51 =	vld [tilespmem:$0x31F0]  }
0x88: {  	[tilespmem:$0x1FB40] =	vst v2;
	v2 =	vld [tilespmem:$0x2B40]  }
0x89: {  	[tilespmem:$0x1FDD0] =	vst v45;
	v45 =	vmul.f32 v49, v0;
	v49 =	vmul.f32 v54, v0;
	v54 =	vld [tilespmem:$0x2AF0]  }
0x8a: {  	v24 =	vadd.f32 $0.0e+00, v24;
	[tilespmem:$0x1FD70] =	vst v23;
	v23 =	vmul.f32 v37, v22;
	v22 =	vmul.f32 v44, v22;
	v44 =	vld [tilespmem:$0x29F0]  }
0x8b: {  	v37 =	vmul.f32 v31, v50;
	v31 =	vld [tilespmem:$0x2B70]  }
0x8c: {  	v21 =	vmul.f32 v21, v50;
	v17 =	vadd.f32 $0.0e+00, v17;
	v24 =	vadd.f32 v34, v24;
	v34 =	vld [tilespmem:$0x2BF0]  }
0x8d: {  	[tilespmem:$0x1FB50] =	vst v2;
	v2 =	vld [tilespmem:$0x2BC0]  }
0x8e: {  	v17 =	vadd.f32 v21, v17;
	v11 =	vadd.f32 v45, v11;
	v45 =	vld [tilespmem:$0x3170]  }
0x8f: {  	v21 =	vadd.f32 $0.0e+00, v28;
	v12 =	vadd.f32 v49, v12;
	v49 =	vld [tilespmem:$0x1FA90]  }
0x90: {  	[tilespmem:$0x1FDB0] =	vst v59;
	v59 =	vld [tilespmem:$0x33E0]  }
0x91: {  	[tilespmem:$0x1FDA0] =	vst v33;
	v21 =	vadd.f32 v37, v21;
	v37 =	vld [tilespmem:$0x28F0]  }
0x92: {  	v33 =	vmul.f32 v30, v50;
	[tilespmem:$0x1FB60] =	vst v2;
	v2 =	vld [tilespmem:$0x2C40]  }
0x93: {  	[tilespmem:$0x1FDC0] =	vst v36;
	v36 =	vmul.f32 v38, v50;
	v38 =	vmul.f32 v53, v50;
	v50 =	vld [tilespmem:$0x2970]  }
0x94: {  	v53 =	vld [tilespmem:$0x2A70]  }
0x95: {  	v30 =	vld [tilespmem:$0x32F0]  }
0x96: {  	[tilespmem:$0x1FE40] =	vst v40;
	v40 =	vmul.f32 v47, v39;
	v47 =	vld [tilespmem:$0x1FA80]  }
0x97: {  	v23 =	vadd.f32 $0.0e+00, v23;
	[tilespmem:$0x1FB70] =	vst v2;
	v2 =	vld [tilespmem:$0x30C0]  }
0x98: {  	v19 =	vadd.f32 v33, v19;
	v33 =	vld [tilespmem:$0x3460]  }
0x99: {  	v27 =	vadd.f32 $0.0e+00, v27;
	[tilespmem:$0x1FD80] =	vst v26;
	v23 =	vadd.f32 v63, v23;
	v63 =	vmul.f32 v61, v0;
	v61 =	vld [tilespmem:$0x3270]  }
0x9a: {  	v22 =	vadd.f32 $0.0e+00, v22;
	[tilespmem:$0x1FE20] =	vst v31;
	v31 =	vld [tilespmem:$0x1FA60]  }
0x9b: {  	v26 =	vadd.f32 v36, v27;
	v36 =	vmul.f32 v60, v0;
	[tilespmem:$0x1FE10] =	vst v44;
	v44 =	vld [tilespmem:$0x1FA70]  }
0x9c: {  	v22 =	vadd.f32 v38, v22;
	v38 =	vmul.f32 v56, v0;
	[tilespmem:$0x1FB80] =	vst v2;
	v2 =	vld [tilespmem:$0x3140]  }
0x9d: {  	v27 =	vadd.f32 v36, v17;
	v36 =	vld [tilespmem:$0x3370]  }
0x9e: {  	v20 =	vadd.f32 v38, v20;
	v38 =	vld [tilespmem:$0x33F0]  }
0x9f: {  	v17 =	vld [tilespmem:$0x3470]  }
0xa0: {  	v56 =	vmul.f32 v58, v0;
	v19 =	vadd.f32 v41, v19;
	v41 =	vmul.f32 v52, v39;
	v52 =	vld [tilespmem:$0x2D80]  }
0xa1: {  	[tilespmem:$0x1FB90] =	vst v2;
	v2 =	vld [tilespmem:$0x31C0]  }
0xa2: {  	v21 =	vadd.f32 v56, v21;
	v56 =	vld [tilespmem:$0x1FAA0]  }
0xa3: {  	[tilespmem:$0x1FDE0] =	vst v59;
	v59 =	vmul.f32 v55, v0;
	v55 =	vld [tilespmem:$0x2C70]  }
0xa4: {  	[tilespmem:$0x1FDF0] =	vst v33;
	v33 =	vmul.f32 v57, v0;
	v57 =	vld [tilespmem:$0x1FA20]  }
0xa5: {  	v15 =	vadd.f32 v59, v15;
	v59 =	vld [tilespmem:$0x1FA30]  }
0xa6: {  	v16 =	vadd.f32 v63, v16;
	v63 =	vmul.f32 v62, v0;
	[tilespmem:$0x1FBA0] =	vst v2;
	v2 =	vld [tilespmem:$0x3240]  }
0xa7: {  	[tilespmem:$0x1FE00] =	vst v37;
	v37 =	vmul.f32 v48, v0;
	v48 =	vld [tilespmem:$0x2D00]  }
0xa8: {  	[tilespmem:$0x1FE30] =	vst v34;
	v34 =	vmul.f32 v43, v39;
	v43 =	vmul.f32 v4, v39;
	v26 =	vadd.f32 v63, v26;
	v63 =	vld [tilespmem:$0x1FAD0]  }
0xa9: {  	[tilespmem:$0x1FE50] =	vst v61;
	v61 =	vld [tilespmem:$0x1FAC0]  }
0xaa: {  	[tilespmem:$0x1FE70] =	vst v36;
	v36 =	vadd.f32 v43, v16;
	v16 =	vld [tilespmem:$0x2E80];
	v58 =	vmul.f32 v57, v0  }
0xab: {  	v60 =	vmul.f32 v59, v0;
	v0 =	vmul.f32 v29, v0;
	[tilespmem:$0x1FBB0] =	vst v2;
	v2 =	vld [tilespmem:$0x32C0]  }
0xac: {  	v18 =	vadd.f32 v25, v18;
	v25 =	vadd.f32 v58, v23;
	v23 =	vld.idx.msk [tilespmem:v42+s24+$0x0], $0xffff  }
0xad: {  	v29 =	vadd.f32 v0, v22;
	v22 =	vld [tilespmem:$0x2C80]  }
0xae: {  	v14 =	vadd.f32 v33, v14;
	v33 =	vmul.f32 v31, v39;
	v58 =	vld [tilespmem:$0x1FAB0]  }
0xaf: {  	[tilespmem:$0x1FE60] =	vst v30;
	v57 =	vmul.f32 v56, v39;
	v24 =	vadd.f32 v60, v24;
	v60 =	vld [tilespmem:$0x2E00]  }
0xb0: {  	v30 =	vadd.f32 v33, v1;
	[tilespmem:$0x1FBC0] =	vst v2;
	v2 =	vld [tilespmem:$0x3340]  }
0xb1: {  	v33 =	vadd.f32 v40, v13;
	v40 =	vadd.f32 v57, v19;
	v19 =	vld [tilespmem:$0x1FAE0]  }
0xb2: {  	v62 =	vmul.f32 v61, v39;
	v0 =	vmul.f32 v47, v39;
	v47 =	vld [tilespmem:$0x2F80]  }
0xb3: {  	v18 =	vadd.f32 v37, v18;
	v37 =	vmul.f32 v46, v39;
	v1 =	vmul.f32 v44, v39;
	v57 =	vld [tilespmem:$0x3000]  }
0xb4: {  	v43 =	vadd.f32 v62, v25;
	v25 =	vld [tilespmem:$0x1FAF0]  }
0xb5: {  	v31 =	vadd.f32 v37, v12;
	v37 =	vadd.f32 v1, v14;
	v1 =	vmul.f32 v49, v39;
	[tilespmem:$0x1FBD0] =	vst v2;
	v2 =	vld [tilespmem:$0x33C0]  }
0xb6: {  	v62 =	vld [tilespmem:$0x3480];
	v59 =	vmul.f32 v58, v39  }
0xb7: {  	v28 =	vadd.f32 v34, v11;
	[tilespmem:$0x1FE80] =	vst v38;
	v38 =	vadd.f32 v1, v20;
	v20 =	vmul.f32 v19, v39;
	v19 =	vld [tilespmem:$0x3500]  }
0xb8: {  	v34 =	vadd.f32 v41, v15;
	v41 =	vadd.f32 v59, v21;
	v21 =	vld [tilespmem:$0x2F00]  }
0xb9: {  	[tilespmem:$0x1FE90] =	vst v48;
	v48 =	vld [tilespmem:$0x1FB00]  }
0xba: {  	v46 =	vmul.f32 v3, v39;
	[tilespmem:$0x1FBE0] =	vst v2;
	v2 =	vld [tilespmem:$0x3440]  }
0xbb: {  	v4 =	vmul.f32 v63, v39;
	v44 =	vmul.f32 v25, v39;
	v39 =	vadd.f32 v20, v26;
	v20 =	vld [tilespmem:$0x3580]  }
0xbc: {  	[tilespmem:$0x1FF00] =	vst v62;
	v62 =	vld [tilespmem:$0x3700]  }
0xbd: {  	[tilespmem:$0x1FEE0] =	vst v47;
	v47 =	vadd.f32 v44, v29;
	v29 =	vld [tilespmem:$0x3600]  }
0xbe: {  	v58 =	vld [tilespmem:$0x1FB20]  }
0xbf: {  	[tilespmem:$0x1FBF0] =	vst v2;
	v2 =	vld [tilespmem:$0x28D0]  }
0xc0: {  	[tilespmem:$0x1FEA0] =	vst v52;
	v52 =	vld [tilespmem:$0x1FB10]  }
0xc1: {  	[tilespmem:$0x1FED0] =	vst v21;
	v21 =	vld [tilespmem:$0x3680]  }
0xc2: {  	v63 =	vld [tilespmem:$0x1FB40]  }
0xc3: {  	v11 =	vld [tilespmem:$0x1FB50]  }
0xc4: {  	v59 =	vmul.f32 v58, v10;
	[tilespmem:$0x1FC00] =	vst v2;
	v2 =	vld [tilespmem:$0x2950]  }
0xc5: {  	v15 =	vld [tilespmem:$0x1FB70]  }
0xc6: {  	v49 =	vmul.f32 v48, v10;
	v48 =	vadd.f32 v59, v31;
	v31 =	vld [tilespmem:$0x1FB80]  }
0xc7: {  	[tilespmem:$0x1FEB0] =	vst v60;
	v60 =	vld [tilespmem:$0x1FB30]  }
0xc8: {  	v27 =	vadd.f32 v46, v27;
	v12 =	vmul.f32 v11, v10;
	v13 =	vld [tilespmem:$0x1FB60]  }
0xc9: {  	v18 =	vadd.f32 v0, v18;
	v46 =	vadd.f32 v4, v24;
	v4 =	vmul.f32 v63, v10;
	[tilespmem:$0x1FC10] =	vst v2;
	v2 =	vld [tilespmem:$0x29D0]  }
0xca: {  	[tilespmem:$0x1FEC0] =	vst v16;
	v56 =	vmul.f32 v52, v10;
	v52 =	vadd.f32 v12, v36;
	v16 =	vmul.f32 v15, v10;
	v36 =	vld [tilespmem:$0x1FB90]  }
0xcb: {  	v30 =	vadd.f32 v49, v30;
	v49 =	vadd.f32 v4, v34;
	v11 =	vld [tilespmem:$0x3780];
	v34 =	vmul.f32 v31, v10  }
0xcc: {  	v27 =	vadd.f32 v16, v27;
	v16 =	vld [tilespmem:$0x3800]  }
0xcd: {  	v58 =	vadd.f32 v34, v18;
	v34 =	vld [tilespmem:$0x1FD10]  }
0xce: {  	[tilespmem:$0x1FC20] =	vst v2;
	v2 =	vld [tilespmem:$0x2A50]  }
0xcf: {  	v61 =	vmul.f32 v60, v10;
	v44 =	vmul.f32 v36, v10;
	v60 =	vld [tilespmem:$0x1FBA0]  }
0xd0: {  	v36 =	vld [tilespmem:$0x1FD20]  }
0xd1: {  	v59 =	vadd.f32 v44, v38;
	v38 =	vld [tilespmem:$0x2F10]  }
0xd2: {  	v3 =	vmul.f32 v34, v8;
	v34 =	vld [tilespmem:$0x1FD80]  }
0xd3: {  	[tilespmem:$0x1FC30] =	vst v2;
	v2 =	vld [tilespmem:$0x2AD0]  }
0xd4: {  	v33 =	vadd.f32 v61, v33;
	v61 =	vmul.f32 v60, v10;
	v63 =	vld [tilespmem:$0x1FBB0]  }
0xd5: {  	v14 =	vmul.f32 v13, v10;
	v60 =	vld [tilespmem:$0x2D10]  }
0xd6: {  	[tilespmem:$0x1FF20] =	vst v62;
	v62 =	vadd.f32 v61, v40;
	v40 =	vld [tilespmem:$0x2C90]  }
0xd7: {  	v28 =	vadd.f32 v56, v28;
	v56 =	vadd.f32 v14, v37;
	v14 =	vld [tilespmem:$0x1FBD0]  }
0xd8: {  	[tilespmem:$0x1FC40] =	vst v2;
	v2 =	vld [tilespmem:$0x2B50]  }
0xd9: {  	[tilespmem:$0x1FFA0] =	vst v38;
	v38 =	vld [tilespmem:$0x1FD30]  }
0xda: {  	v12 =	vld [tilespmem:$0x1FBC0]  }
0xdb: {  	[tilespmem:$0x1FF60] =	vst v60;
	v60 =	vld [tilespmem:$0x2F90]  }
0xdc: {  	v15 =	vmul.f32 v14, v10;
	v18 =	vld [tilespmem:$0x1FBE0]  }
0xdd: {  	[tilespmem:$0x1FC50] =	vst v2;
	v2 =	vld [tilespmem:$0x2BD0]  }
0xde: {  	v46 =	vadd.f32 v15, v46;
	v15 =	vld [tilespmem:$0x2E10]  }
0xdf: {  	v25 =	vld [tilespmem:$0x1FBF0]  }
0xe0: {  	v44 =	vld [tilespmem:$0x1FC00]  }
0xe1: {  	[tilespmem:$0x1FF30] =	vst v11;
	v11 =	vld [tilespmem:$0x1FC20]  }
0xe2: {  	[tilespmem:$0x1FC60] =	vst v2;
	v2 =	vld [tilespmem:$0x2C50]  }
0xe3: {  	[tilespmem:$0x1FFB0] =	vst v60;
	v60 =	vld [tilespmem:$0x3590]  }
0xe4: {  	v4 =	vmul.f32 v63, v10;
	[tilespmem:$0x1FF80] =	vst v15;
	v15 =	vld [tilespmem:$0x3490];
	v26 =	vmul.f32 v25, v10  }
0xe5: {  	v13 =	vmul.f32 v12, v10;
	v24 =	vmul.f32 v18, v10;
	v10 =	vld [tilespmem:$0x2D90]  }
0xe6: {  	[tilespmem:$0x1FEF0] =	vst v57;
	v47 =	vadd.f32 v26, v47;
	v26 =	vld [tilespmem:$0x2E90]  }
0xe7: {  	v57 =	vmul.f32 v44, v9;
	v12 =	vmul.f32 v11, v9;
	[tilespmem:$0x1FC70] =	vst v2;
	v2 =	vld [tilespmem:$0x30D0]  }
0xe8: {  	v61 =	vld [tilespmem:$0x1FC10]  }
0xe9: {  	v37 =	vmul.f32 v36, v8;
	v30 =	vadd.f32 v57, v30;
	v57 =	vld [tilespmem:$0x3610];
	v48 =	vadd.f32 v12, v48  }
0xea: {  	v43 =	vadd.f32 v13, v43;
	v13 =	vld [tilespmem:$0x1FC30]  }
0xeb: {  	[tilespmem:$0x1FFC0] =	vst v15;
	v15 =	vadd.f32 v37, v48;
	v48 =	vld [tilespmem:$0x2CA0]  }
0xec: {  	[tilespmem:$0x1FC80] =	vst v2;
	v2 =	vld [tilespmem:$0x3150]  }
0xed: {  	v63 =	vadd.f32 v24, v39;
	v24 =	vld [tilespmem:$0x1FC50]  }
0xee: {  	[tilespmem:$0x1FF10] =	vst v29;
	v37 =	vld [tilespmem:$0x1FD90]  }
0xef: {  	[tilespmem:$0x1FF40] =	vst v16;
	v14 =	vmul.f32 v13, v9;
	v16 =	vld [tilespmem:$0x1FC40]  }
0xf0: {  	[tilespmem:$0x1FF70] =	vst v10;
	v29 =	vld [tilespmem:$0x1FC60]  }
0xf1: {  	v39 =	vmul.f32 v38, v8;
	v10 =	vadd.f32 v14, v33;
	[tilespmem:$0x1FC90] =	vst v2;
	v2 =	vld [tilespmem:$0x31D0]  }
0xf2: {  	v25 =	vmul.f32 v24, v9;
	v24 =	vld [tilespmem:$0x3510]  }
0xf3: {  	v10 =	vadd.f32 v39, v10;
	v39 =	vld [tilespmem:$0x1FDA0]  }
0xf4: {  	v38 =	vmul.f32 v37, v8;
	v37 =	vld [tilespmem:$0x1FDE0]  }
0xf5: {  	[tilespmem:$0x1FF50] =	vst v40;
	v40 =	vld [tilespmem:$0x1FC70]  }
0xf6: {  	v31 =	vmul.f32 v29, v9;
	[tilespmem:$0x1FCA0] =	vst v2;
	v2 =	vld [tilespmem:$0x3250]  }
0xf7: {  	[tilespmem:$0x1FFD0] =	vst v24;
	v24 =	vld [tilespmem:$0x1FD50]  }
0xf8: {  	v56 =	vadd.f32 v31, v56;
	v31 =	vld [tilespmem:$0x1FD00]  }
0xf9: {  	v41 =	vadd.f32 v4, v41;
	v4 =	vmul.f32 v61, v9;
	v61 =	vld [tilespmem:$0x1FC80]  }
0xfa: {  	v13 =	vld [tilespmem:$0x1FCA0]  }
0xfb: {  	v44 =	vmul.f32 v40, v9;
	[tilespmem:$0x1FCB0] =	vst v2;
	v2 =	vld [tilespmem:$0x32D0]  }
0xfc: {  	v40 =	vmul.f32 v39, v8;
	v39 =	vld [tilespmem:$0x34A0]  }
0xfd: {  	v27 =	vadd.f32 v44, v27;
	v44 =	vld [tilespmem:$0x3690]  }
0xfe: {  	v11 =	vld [tilespmem:$0x1FC90]  }
0xff: {  	v0 =	vmul.f32 v13, v9;
	v14 =	vld [tilespmem:$0x1FCB0]  }
0x100: {  	v28 =	vadd.f32 v4, v28;
	v4 =	vmul.f32 v61, v9;
	[tilespmem:$0x1FCC0] =	vst v2;
	v2 =	vld [tilespmem:$0x3350]  }
0x101: {  	v61 =	vld [tilespmem:$0x3010];
	v62 =	vadd.f32 v0, v62  }
0x102: {  	v36 =	vmul.f32 v34, v8;
	v18 =	vmul.f32 v16, v9;
	v58 =	vadd.f32 v4, v58;
	v16 =	vld [tilespmem:$0x1FCC0]  }
0x103: {  	v62 =	vadd.f32 v40, v62;
	v40 =	vld [tilespmem:$0x2FA0]  }
0x104: {  	v1 =	vmul.f32 v14, v9;
	v14 =	vadd.f32 v36, v58;
	v36 =	vld [tilespmem:$0x1FDD0]  }
0x105: {  	[tilespmem:$0x1FCD0] =	vst v2;
	v2 =	vld [tilespmem:$0x33D0]  }
0x106: {  	v52 =	vadd.f32 v25, v52;
	v25 =	vld [tilespmem:$0x1FCD0]  }
0x107: {  	v49 =	vadd.f32 v18, v49;
	v58 =	vld [tilespmem:$0x2F20];
	v18 =	vmul.f32 v16, v9  }
0x108: {  	v12 =	vmul.f32 v11, v9;
	v11 =	vadd.f32 v1, v41;
	v41 =	vld [tilespmem:$0x2D20]  }
0x109: {  	v33 =	vadd.f32 v18, v43;
	v18 =	vld [tilespmem:$0x1FD40]  }
0x10a: {  	[tilespmem:$0x1FCE0] =	vst v2;
	v2 =	vld [tilespmem:$0x3450]  }
0x10b: {  	v16 =	vld [tilespmem:$0x1FDB0];
	v0 =	vmul.f32 v25, v9  }
0x10c: {  	[tilespmem:$0x1FF90] =	vst v26;
	v26 =	vld [tilespmem:$0x1FCE0]  }
0x10d: {  	v25 =	vld [tilespmem:$0x1FD60];
	v46 =	vadd.f32 v0, v46;
	v0 =	vmul.f32 v31, v8  }
0x10e: {  	v43 =	vld [tilespmem:$0x3790]  }
0x10f: {  	v31 =	vld [tilespmem:$0x1FD70];
	[tilespmem:$0x1FCF0] =	vst v2;
	v30 =	vadd.f32 v0, v30;
	v0 =	vmul.f32 v18, v8  }
0x110: {  	v59 =	vadd.f32 v12, v59;
	v29 =	vld [tilespmem:$0x1FCF0]  }
0x111: {  	v12 =	vadd.f32 v3, v28;
	v1 =	vmul.f32 v26, v9;
	v3 =	vadd.f32 v0, v49;
	v49 =	vld [tilespmem:$0x2DA0]  }
0x112: {  	v26 =	vmul.f32 v25, v8;
	v0 =	vmul.f32 v36, v8;
	v36 =	vld [tilespmem:$0x1FE20]  }
0x113: {  	v4 =	vadd.f32 v1, v63;
	v63 =	vld [tilespmem:$0x3710]  }
0x114: {  	v13 =	vadd.f32 v26, v56;
	v56 =	vld [tilespmem:$0x2EA0]  }
0x115: {  	v1 =	vmul.f32 v24, v8;
	v24 =	vld [tilespmem:$0x1FE00]  }
0x116: {  	v26 =	vmul.f32 v50, v7;
	v50 =	vld [tilespmem:$0x3020]  }
0x117: {  	v1 =	vadd.f32 v1, v52;
	v52 =	vld [tilespmem:$0x2E20];
	v2 =	vmul.f32 v29, v9  }
0x118: {  	v29 =	vmul.f32 v45, v7;
	v45 =	vld [tilespmem:$0x36A0]  }
0x119: {  	v9 =	vadd.f32 v2, v47;
	v47 =	vld [tilespmem:$0x3810];
	v2 =	vmul.f32 v31, v8  }
0x11a: {  	v31 =	vld [tilespmem:$0x1FDC0]  }
0x11b: {  	v25 =	vmul.f32 v24, v7;
	v2 =	vadd.f32 v2, v27;
	v27 =	vadd.f32 v38, v59;
	v59 =	vld [tilespmem:$0x1FDF0]  }
0x11c: {  	v24 =	vmul.f32 v55, v7;
	v55 =	vld [tilespmem:$0x3620];
	v38 =	vmul.f32 v37, v8  }
0x11d: {  	v53 =	vmul.f32 v53, v7;
	v37 =	vmul.f32 v36, v7;
	v36 =	vld [tilespmem:$0x3820]  }
0x11e: {  	v18 =	vmul.f32 v16, v8;
	v4 =	vadd.f32 v38, v4;
	v38 =	vld [tilespmem:$0x3520]  }
0x11f: {  	v10 =	vadd.f32 v53, v10;
	v53 =	vadd.f32 v24, v2;
	v24 =	vld [tilespmem:$0x1FE70]  }
0x120: {  	v11 =	vadd.f32 v18, v11;
	v34 =	vmul.f32 v31, v8;
	v31 =	vld [tilespmem:$0x1FE10];
	v18 =	vmul.f32 v59, v8  }
0x121: {  	v59 =	vadd.f32 v25, v30;
	v25 =	vld [tilespmem:$0x1FE40]  }
0x122: {  	v16 =	vadd.f32 v0, v46;
	v46 =	vadd.f32 v18, v9;
	v9 =	vld [tilespmem:$0x1FE30]  }
0x123: {  	v33 =	vadd.f32 v34, v33;
	v34 =	vmul.f32 v54, v7;
	v54 =	vld [tilespmem:$0x35A0]  }
0x124: {  	v30 =	vmul.f32 v51, v7;
	v51 =	vld [tilespmem:$0x37A0]  }
0x125: {  	v0 =	vmul.f32 v31, v7;
	v31 =	vld [tilespmem:$0x1FE50]  }
0x126: {  	v28 =	vadd.f32 v26, v12;
	v12 =	vadd.f32 v34, v3;
	v26 =	vmul.f32 v25, v7;
	v25 =	vld [tilespmem:$0x1FE80]  }
0x127: {  	v18 =	vmul.f32 v9, v7;
	v9 =	vadd.f32 v29, v27;
	v27 =	vadd.f32 v30, v62;
	v62 =	vld [tilespmem:$0x1FE60]  }
0x128: {  	v3 =	vadd.f32 v37, v1;
	v37 =	vld [tilespmem:$0x3720];
	v8 =	vadd.f32 v0, v15;
	v0 =	vmul.f32 v24, v7  }
0x129: {  	v24 =	vmul.f32 v22, v23;
	v22 =	vld [tilespmem:$0x1FED0]  }
0x12a: {  	v14 =	vadd.f32 v26, v14;
	v2 =	vadd.f32 v0, v16;
	v30 =	vld [tilespmem:$0x2DB0]  }
0x12b: {  	v16 =	vadd.f32 v24, v59;
	v59 =	vld [tilespmem:$0x1FEA0];
	v34 =	vmul.f32 v31, v7;
	v26 =	vmul.f32 v25, v7  }
0x12c: {  	v29 =	vld [tilespmem:$0x2E30];
	v13 =	vadd.f32 v18, v13;
	v18 =	vmul.f32 v62, v7;
	v7 =	vmul.f32 v17, v7  }
0x12d: {  	v62 =	vld [tilespmem:$0x1FEB0]  }
0x12e: {  	v15 =	vadd.f32 v7, v46;
	v7 =	vld [tilespmem:$0x1FEC0]  }
0x12f: {  	v24 =	vld [tilespmem:$0x1FEE0]  }
0x130: {  	v31 =	vld [tilespmem:$0x2D30]  }
0x131: {  	v25 =	vld [tilespmem:$0x1FE90]  }
0x132: {  	v11 =	vadd.f32 v34, v11;
	v34 =	vld [tilespmem:$0x2CB0];
	v17 =	vadd.f32 v26, v4;
	v4 =	vmul.f32 v62, v23  }
0x133: {  	v33 =	vadd.f32 v18, v33;
	v46 =	vld [tilespmem:$0x2FB0];
	v18 =	vmul.f32 v7, v23  }
0x134: {  	v59 =	vmul.f32 v59, v23;
	v10 =	vadd.f32 v4, v10;
	v4 =	vld [tilespmem:$0x1FEF0]  }
0x135: {  	v12 =	vadd.f32 v18, v12;
	v18 =	vld [tilespmem:$0x1FF00]  }
0x136: {  	v8 =	vadd.f32 v59, v8;
	v59 =	vld [tilespmem:$0x3530];
	v26 =	vmul.f32 v25, v23  }
0x137: {  	v25 =	vmul.f32 v24, v23;
	v24 =	vld [tilespmem:$0x3030]  }
0x138: {  	v0 =	vmul.f32 v22, v23;
	v28 =	vadd.f32 v26, v28;
	v26 =	vld [tilespmem:$0x2EB0]  }
0x139: {  	v62 =	vld [tilespmem:$0x2F30];
	v13 =	vadd.f32 v25, v13  }
0x13a: {  	v25 =	vld [tilespmem:$0x34B0];
	v7 =	vadd.f32 v0, v3;
	v3 =	vmul.f32 v4, v23;
	v22 =	vmul.f32 v18, v23  }
0x13b: {  	v18 =	vmul.f32 v19, v23;
	v19 =	vmul.f32 v20, v23;
	v20 =	vld [tilespmem:$0x1FF10]  }
0x13c: {  	v21 =	vmul.f32 v21, v23;
	v3 =	vadd.f32 v3, v53;
	v53 =	vld [tilespmem:$0x35B0]  }
0x13d: {  	v14 =	vadd.f32 v22, v14;
	v22 =	vld [tilespmem:$0x1FF20]  }
0x13e: {  	v4 =	vadd.f32 v18, v9;
	v9 =	vadd.f32 v21, v33;
	v33 =	vld [tilespmem:$0x1FF30]  }
0x13f: {  	v61 =	vmul.f32 v61, v6;
	v21 =	vld [tilespmem:$0x1FF60]  }
0x140: {  	v27 =	vadd.f32 v19, v27;
	v19 =	vld [tilespmem:$0x1FF40]  }
0x141: {  	v3 =	vadd.f32 v61, v3;
	v61 =	vld [tilespmem:$0x1FFD0];
	v1 =	vmul.f32 v20, v23  }
0x142: {  	v20 =	vld [tilespmem:$0x1FF50]  }
0x143: {  	v1 =	vadd.f32 v1, v11;
	v11 =	vmul.f32 v22, v23;
	v22 =	vld [tilespmem:$0x3630]  }
0x144: {  	v0 =	vmul.f32 v21, v6;
	v21 =	vld [tilespmem:$0x36B0]  }
0x145: {  	v18 =	vmul.f32 v33, v23;
	v33 =	vld [tilespmem:$0x1FF70]  }
0x146: {  	v57 =	vmul.f32 v57, v6;
	v23 =	vmul.f32 v19, v23;
	v19 =	vld [tilespmem:$0x1FFA0]  }
0x147: {  	v17 =	vadd.f32 v18, v17;
	v18 =	vadd.f32 v0, v28;
	v28 =	vld [tilespmem:$0x37B0]  }
0x148: {  	v1 =	vadd.f32 v57, v1;
	v57 =	vmul.f32 v43, v6;
	v43 =	vld [tilespmem:$0x2F40]  }
0x149: {  	v41 =	vmul.f32 v41, v5;
	v2 =	vadd.f32 v11, v2;
	v11 =	vmul.f32 v20, v6;
	v20 =	vld [tilespmem:$0x1FF80]  }
0x14a: {  	v17 =	vadd.f32 v57, v17;
	v57 =	vmul.f32 v48, v5;
	v48 =	vld [tilespmem:$0x34C0]  }
0x14b: {  	v18 =	vadd.f32 v41, v18;
	v41 =	vld [tilespmem:$0x3540]  }
0x14c: {  	v31 =	vmul.f32 v31, v32;
	v15 =	vadd.f32 v23, v15;
	v23 =	vmul.f32 v33, v6;
	v33 =	vld [tilespmem:$0x3730]  }
0x14d: {  	v11 =	vadd.f32 v11, v16;
	v0 =	vmul.f32 v19, v6;
	v19 =	vld [tilespmem:$0x3830]  }
0x14e: {  	v18 =	vadd.f32 v31, v18;
	v31 =	vld [tilespmem:$0x3050];
	v8 =	vadd.f32 v23, v8  }
0x14f: {  	v23 =	vld [tilespmem:$0x1FF90];
	v11 =	vadd.f32 v57, v11;
	v57 =	vmul.f32 v56, v5;
	v56 =	vmul.f32 v50, v5  }
0x150: {  	v55 =	vmul.f32 v55, v5;
	v16 =	vmul.f32 v20, v6;
	v20 =	vld [tilespmem:$0x1FFB0]  }
0x151: {  	v52 =	vmul.f32 v52, v5;
	v24 =	vmul.f32 v24, v32;
	v50 =	vld [tilespmem:$0x36C0];
	v3 =	vadd.f32 v56, v3  }
0x152: {  	v1 =	vadd.f32 v55, v1;
	v10 =	vadd.f32 v16, v10;
	v55 =	vmul.f32 v33, v32;
	v33 =	vld [tilespmem:$0x3750]  }
0x153: {  	v3 =	vadd.f32 v24, v3;
	v24 =	vld [tilespmem:$0x3650]  }
0x154: {  	v23 =	vmul.f32 v23, v6;
	v10 =	vadd.f32 v52, v10;
	v52 =	vmul.f32 v40, v5;
	v40 =	vld [tilespmem:$0x3640]  }
0x155: {  	v29 =	vmul.f32 v29, v32;
	v16 =	vmul.f32 v20, v6;
	v20 =	vld [tilespmem:$0x2CC0]  }
0x156: {  	v12 =	vadd.f32 v23, v12;
	v23 =	vld [tilespmem:$0x1FFC0]  }
0x157: {  	v10 =	vadd.f32 v29, v10;
	v29 =	vld [tilespmem:$0x3550]  }
0x158: {  	v13 =	vadd.f32 v16, v13;
	v16 =	vmul.f32 v61, v6;
	v61 =	vld [tilespmem:$0x2DC0]  }
0x159: {  	v26 =	vmul.f32 v26, v32;
	v12 =	vadd.f32 v57, v12;
	v57 =	vmul.f32 v38, v5;
	v38 =	vld [tilespmem:$0x3840]  }
0x15a: {  	v4 =	vadd.f32 v16, v4;
	v16 =	vmul.f32 v44, v6;
	v44 =	vmul.f32 v63, v6;
	v63 =	vld [tilespmem:$0x2EC0]  }
0x15b: {  	v39 =	vmul.f32 v39, v5;
	v13 =	vadd.f32 v52, v13;
	v52 =	vld [tilespmem:$0x3740]  }
0x15c: {  	v58 =	vmul.f32 v58, v5;
	v37 =	vmul.f32 v37, v5;
	v12 =	vadd.f32 v26, v12;
	v26 =	vld [tilespmem:$0x2F50]  }
0x15d: {  	v46 =	vmul.f32 v46, v32;
	v0 =	vadd.f32 v0, v7;
	v7 =	vmul.f32 v23, v6;
	v23 =	vld [tilespmem:$0x2D40]  }
0x15e: {  	v53 =	vmul.f32 v53, v32;
	v21 =	vmul.f32 v21, v32;
	v9 =	vadd.f32 v16, v9;
	v16 =	vld [tilespmem:$0x2FC0]  }
0x15f: {  	v56 =	vmul.f32 v45, v5;
	v45 =	vmul.f32 v62, v32;
	v2 =	vadd.f32 v44, v2;
	v44 =	vld [tilespmem:$0x3040]  }
0x160: {  	v41 =	vmul.f32 v41, v35;
	v7 =	vadd.f32 v7, v14;
	v14 =	vmul.f32 v60, v6;
	v60 =	vld [tilespmem:$0x2E40]  }
0x161: {  	v19 =	vmul.f32 v19, v32;
	v4 =	vadd.f32 v57, v4;
	v6 =	vmul.f32 v47, v6;
	v47 =	vld [tilespmem:$0x35C0]  }
0x162: {  	v57 =	vmul.f32 v51, v5;
	v2 =	vadd.f32 v37, v2;
	v37 =	vmul.f32 v30, v32;
	v30 =	vld [tilespmem:$0x2E50]  }
0x163: {  	v51 =	vmul.f32 v59, v32;
	v9 =	vadd.f32 v56, v9;
	v7 =	vadd.f32 v39, v7;
	v39 =	vld [tilespmem:$0x37C0]  }
0x164: {  	v17 =	vadd.f32 v57, v17;
	v57 =	vadd.s32 $0x60, v42;
	v14 =	vadd.f32 v14, v27;
	v27 =	vld [tilespmem:$0x2DD0]  }
0x165: {  	v6 =	vadd.f32 v6, v15;
	v15 =	vmul.f32 v49, v5;
	v9 =	vadd.f32 v21, v9;
	v21 =	vld [tilespmem:$0x35D0]  }
0x166: {  	v13 =	vadd.f32 v46, v13;
	v61 =	vmul.f32 v61, v35;
	v59 =	vmul.f32 v23, v35;
	v23 =	vld [tilespmem:$0x36D0]  }
0x167: {  	v56 =	vmul.f32 v28, v32;
	v46 =	vmul.f32 v44, v35;
	v44 =	vld [tilespmem:$0x2E60];
	v8 =	vadd.f32 v15, v8  }
0x168: {  	v15 =	vadd.f32 v58, v0;
	v58 =	vmul.f32 v54, v5;
	v5 =	vmul.f32 v36, v5;
	v36 =	vld [tilespmem:$0x2D50]  }
0x169: {  	v4 =	vadd.f32 v51, v4;
	v16 =	vmul.f32 v16, v35;
	v54 =	vmul.f32 v22, v32;
	v22 =	vld [tilespmem:$0x34D0]  }
0x16a: {  	v63 =	vmul.f32 v63, v35;
	v49 =	vadd.s32 $0x50, v42;
	v2 =	vadd.f32 v55, v2;
	v28 =	vld.idx.msk [tilespmem:v57+s24+$0x0], $0xffff  }
0x16b: {  	v4 =	vadd.f32 v41, v4;
	v55 =	vmul.f32 v50, v35;
	v13 =	vadd.f32 v16, v13;
	v16 =	vld [tilespmem:$0x3560]  }
0x16c: {  	v41 =	vadd.s32 $0x70, v42;
	v12 =	vadd.f32 v63, v12;
	v51 =	vmul.f32 v47, v35;
	v47 =	vld [tilespmem:$0x3760]  }
0x16d: {  	v9 =	vadd.f32 v55, v9;
	v14 =	vadd.f32 v58, v14;
	v58 =	vmul.f32 v34, v32;
	v34 =	vld [tilespmem:$0x2CD0]  }
0x16e: {  	v62 =	vmul.f32 v60, v35;
	v3 =	vadd.f32 v46, v3;
	v8 =	vadd.f32 v37, v8;
	v37 =	vld [tilespmem:$0x2ED0]  }
0x16f: {  	v5 =	vadd.f32 v5, v6;
	v1 =	vadd.f32 v54, v1;
	v54 =	vmul.f32 v40, v35;
	v40 =	vld [tilespmem:$0x2DE0]  }
0x170: {  	v0 =	vld.idx.msk [tilespmem:v49+s24+$0x0], $0xffff;
	v49 =	vmul.f32 v25, v32;
	v10 =	vadd.f32 v62, v10;
	v6 =	vadd.f32 v58, v11  }
0x171: {  	v25 =	vld [tilespmem:$0x2FD0];
	v57 =	vmul.f32 v39, v35;
	v11 =	vadd.f32 v45, v15;
	v14 =	vadd.f32 v53, v14  }
0x172: {  	v32 =	vld [tilespmem:$0x3850];
	v15 =	vadd.f32 v56, v17;
	v58 =	vmul.f32 v20, v35;
	v5 =	vadd.f32 v19, v5  }
0x173: {  	v17 =	vadd.f32 v59, v18;
	v20 =	vld [tilespmem:$0x37D0];
	v8 =	vadd.f32 v61, v8;
	v45 =	vmul.f32 v43, v35  }
0x174: {  	v43 =	vld [tilespmem:$0x2CE0];
	v56 =	vmul.f32 v52, v35;
	v7 =	vadd.f32 v49, v7;
	v49 =	vmul.f32 v48, v35  }
0x175: {  	v53 =	vld [tilespmem:$0x2D60];
	v35 =	vmul.f32 v38, v35;
	v15 =	vadd.f32 v57, v15;
	v57 =	vmul.f32 v44, v28  }
0x176: {  	v6 =	vadd.f32 v58, v6;
	v58 =	vld [tilespmem:$0x2EE0];
	v16 =	vmul.f32 v16, v28;
	v55 =	vmul.f32 v40, v28  }
0x177: {  	v11 =	vadd.f32 v45, v11;
	v45 =	vld [tilespmem:$0x36E0];
	v59 =	vmul.f32 v34, v0;
	v60 =	vmul.f32 v36, v0  }
0x178: {  	v14 =	vadd.f32 v51, v14;
	v51 =	vld [tilespmem:$0x3860];
	v61 =	vmul.f32 v27, v0;
	v62 =	vmul.f32 v30, v0  }
0x179: {  	v2 =	vadd.f32 v56, v2;
	v56 =	vld [tilespmem:$0x2D70];
	v63 =	vmul.f32 v37, v0;
	v26 =	vmul.f32 v26, v0  }
0x17a: {  	v1 =	vadd.f32 v54, v1;
	v44 =	vld [tilespmem:$0x34F0];
	v37 =	vmul.f32 v25, v0;
	v39 =	vmul.f32 v31, v0  }
0x17b: {  	v5 =	vadd.f32 v35, v5;
	v35 =	vld [tilespmem:$0x2FE0];
	v22 =	vmul.f32 v22, v0;
	v42 =	vmul.f32 v29, v0  }
0x17c: {  	v7 =	vadd.f32 v49, v7;
	v49 =	vld [tilespmem:$0x37E0];
	v21 =	vmul.f32 v21, v0;
	v46 =	vmul.f32 v24, v0  }
0x17d: {  	v34 =	vld [tilespmem:$0x2F60];
	v48 =	vmul.f32 v23, v0;
	v6 =	vadd.f32 v59, v6;
	v17 =	vadd.f32 v60, v17  }
0x17e: {  	v30 =	vld [tilespmem:$0x3060];
	v50 =	vmul.f32 v33, v0;
	v8 =	vadd.f32 v61, v8;
	v10 =	vadd.f32 v62, v10  }
0x17f: {  	v36 =	vld [tilespmem:$0x34E0];
	v20 =	vmul.f32 v20, v0;
	v12 =	vadd.f32 v63, v12;
	v11 =	vadd.f32 v26, v11  }
0x180: {  	v25 =	vld [tilespmem:$0x35E0];
	v0 =	vmul.f32 v32, v0;
	v13 =	vadd.f32 v37, v13;
	v3 =	vadd.f32 v39, v3  }
0x181: {  	v27 =	vld [tilespmem:$0x3660];
	v52 =	vmul.f32 v43, v28;
	v7 =	vadd.f32 v22, v7;
	v4 =	vadd.f32 v42, v4  }
0x182: {  	v29 =	vld [tilespmem:$0x1FFF0];
	v18 =	vmul.f32 v53, v28;
	v14 =	vadd.f32 v21, v14;
	v1 =	vadd.f32 v46, v1  }
0x183: {  	v53 =	vld [tilespmem:$0x2CF0];
	v43 =	vmul.f32 v47, v28;
	v9 =	vadd.f32 v48, v9;
	v2 =	vadd.f32 v50, v2  }
0x184: {  	v26 =	vld.idx.msk [tilespmem:v41+s24+$0x0], $0xffff;
	v15 =	vadd.f32 v20, v15;
	v0 =	vadd.f32 v0, v5;
	v58 =	vmul.f32 v58, v28  }
0x185: {  	v59 =	vld [tilespmem:$0x2DF0];
	v41 =	vmul.f32 v45, v28;
	v47 =	vmul.f32 v51, v28;
	v54 =	vadd.f32 v52, v6  }
0x186: {  	v62 =	vld [tilespmem:$0x2E70];
	v17 =	vadd.f32 v18, v17;
	v6 =	vadd.f32 v55, v8;
	v61 =	vmul.f32 v35, v28  }
0x187: {  	v37 =	vld [tilespmem:$0x2F70];
	v10 =	vadd.f32 v57, v10;
	v4 =	vadd.f32 v16, v4;
	v45 =	vmul.f32 v49, v28  }
0x188: {  	v39 =	vld [tilespmem:$0x2FF0];
	v2 =	vadd.f32 v43, v2;
	v60 =	vmul.f32 v34, v28;
	v63 =	vmul.f32 v30, v28  }
0x189: {  	v42 =	vld [tilespmem:$0x3070];
	v12 =	vadd.f32 v58, v12;
	v36 =	vmul.f32 v36, v28;
	v38 =	vmul.f32 v25, v28  }
0x18a: {  	v46 =	vld [tilespmem:$0x3570];
	v40 =	vmul.f32 v27, v28;
	v9 =	vadd.f32 v41, v9;
	v0 =	vadd.f32 v47, v0  }
0x18b: {  	v48 =	vld [tilespmem:$0x35F0];
	v30 =	vand.u32 $0x100, v29;
	v35 =	vadd.f32 v61, v13;
	v13 =	vadd.f32 v45, v15  }
0x18c: {  	v51 =	vld [tilespmem:$0x3670];
	v8 =	vadd.f32 v60, v11;
	v3 =	vadd.f32 v63, v3;
	v20 =	vmul.f32 v53, v26  }
0x18d: {  	v55 =	vld [tilespmem:$0x3770];
	v7 =	vadd.f32 v36, v7;
	v49 =	vmul.f32 v56, v26;
	v50 =	vmul.f32 v59, v26  }
0x18e: {  	v34 =	vld [tilespmem:$0x2EF0];
	v14 =	vadd.f32 v38, v14;
	v52 =	vmul.f32 v62, v26;
	v56 =	vmul.f32 v37, v26  }
0x18f: {  	v58 =	vld [tilespmem:$0x37F0];
	v1 =	vadd.f32 v40, v1;
	v57 =	vmul.f32 v39, v26;
	v59 =	vmul.f32 v42, v26  }
0x190: {  	v25 =	vld [tilespmem:$0x1FFE0];
	v18 =	vmul.f32 v44, v26;
	v5 =	vadd.f32 v20, v54;
	v15 =	vadd.f32 v49, v17  }
0x191: {  	v53 =	vld [tilespmem:$0x36F0];
	v61 =	vmul.f32 v46, v26;
	v6 =	vadd.f32 v50, v6;
	v10 =	vadd.f32 v52, v10  }
0x192: {  	v60 =	vld [tilespmem:$0x3870];
	v62 =	vmul.f32 v48, v26;
	v8 =	vadd.f32 v56, v8;
	v11 =	vadd.f32 v57, v35  }
0x193: {  	vm0 =	veq.s32 v30, $0x0;
	v3 =	vadd.f32 v59, v3;
	v7 =	vadd.f32 v18, v7  }
0x194: {  	v63 =	vmul.f32 v51, v26;
	v4 =	vadd.f32 v61, v4;
	v14 =	vadd.f32 v62, v14  }
0x195: {  	v22 =	vmul.f32 v55, v26;
	v50 =	vand.u32 $0x200, v29;
	v54 =	vmul.f32 v34, v26  }
0x196: {  	v23 =	vmul.f32 v58, v26;
	v1 =	vadd.f32 v63, v1;
	v47 =	vxor.u32 $0x2, v25  }
0x197: {  	v21 =	vmul.f32 v53, v26;
	v24 =	vmul.f32 v60, v26;
	v26 =	vxor.u32 $0x1, v25  }
0x198: {  	v2 =	vadd.f32 v22, v2;
	v27 =	vperm.xlane v5, v26;
	v28 =	vperm.xlane v15, v26  }
0x199: {  	v12 =	vadd.f32 v54, v12;
	v31 =	vperm.xlane v6, v26;
	v32 =	vperm.xlane v10, v26  }
0x19a: {  	v13 =	vadd.f32 v23, v13;
	v34 =	vperm.xlane v8, v26;
	v35 =	vperm.xlane v11, v26  }
0x19b: {  	v37 =	vperm.xlane v3, v26;
	v38 =	vperm.xlane v7, v26;
	v9 =	vadd.f32 v21, v9  }
0x19c: {  	v39 =	vperm.xlane v4, v26;
	v0 =	vadd.f32 v24, v0;
	v5 =	vadd.f32 v27, v5  }
0x19d: {  	v40 =	vperm.xlane v14, v26;
	v15 =	vadd.f32 v28, v15;
	v6 =	vadd.f32 v31, v6  }
0x19e: {  	v41 =	vperm.xlane v1, v26;
	v10 =	vadd.f32 v32, v10;
	v8 =	vadd.f32 v34, v8  }
0x19f: {  	v44 =	vperm.xlane v2, v26;
	v11 =	vadd.f32 v35, v11;
	v3 =	vadd.f32 v37, v3  }
0x1a0: {  	v33 =	vperm.xlane v12, v26;
	v7 =	vadd.f32 v38, v7;
	v4 =	vadd.f32 v39, v4  }
0x1a1: {  	v45 =	vperm.xlane v13, v26;
	v42 =	vadd.f32 v40, v14;
	v1 =	vadd.f32 v41, v1  }
0x1a2: {  	v2 =	vadd.f32 v44, v2;
	v36 =	vadd.f32 v33, v12;
	v43 =	vperm.xlane v9, v26  }
0x1a3: {  	v46 =	vperm.xlane v0, v26;
	v5 =	vsel vm0, v5, v15;
	v6 =	vsel vm0, v6, v10  }
0x1a4: {  	v3 =	vsel vm0, v11, v3;
	v4 =	vsel vm0, v7, v4;
	v1 =	vsel vm0, v42, v1  }
0x1a5: {  	v7 =	vadd.f32 v45, v13;
	v8 =	vsel vm0, v36, v8;
	v48 =	vperm.xlane v5, v47  }
0x1a6: {  	v9 =	vadd.f32 v43, v9;
	v49 =	vperm.xlane v6, v47;
	v52 =	vperm.xlane v3, v47  }
0x1a7: {  	v0 =	vadd.f32 v46, v0;
	v53 =	vperm.xlane v4, v47;
	v54 =	vperm.xlane v1, v47  }
0x1a8: {  	v51 =	vperm.xlane v8, v47;
	v2 =	vsel vm0, v9, v2;
	v5 =	vadd.f32 v48, v5  }
0x1a9: {  	v0 =	vsel vm0, v7, v0;
	v6 =	vadd.f32 v49, v6;
	v3 =	vadd.f32 v52, v3  }
0x1aa: {  	v4 =	vadd.f32 v53, v4;
	v55 =	vperm.xlane v2, v47;
	v10 =	vperm.xlane v0, v47  }
0x1ab: {  	vm13 =	veq.s32 v50, $0x0;
	v1 =	vadd.f32 v54, v1;
	v8 =	vadd.f32 v51, v8  }
0x1ac: {  	v56 =	vxor.u32 $0x4, v25;
	v2 =	vadd.f32 v55, v2;
	v0 =	vadd.f32 v10, v0  }
0x1ad: {  	v5 =	vsel vm13, v5, v6;
	v1 =	vsel vm13, v4, v1;
	v3 =	vsel vm13, v8, v3  }
0x1ae: {  	v57 =	vperm.xlane v5, v56;
	v59 =	vperm.xlane v1, v56;
	v0 =	vsel vm13, v2, v0  }
0x1af: {  	v58 =	vperm.xlane v3, v56;
	v4 =	vperm.xlane v0, v56  }
0x1b0: {  	v2 =	vadd.f32 v57, v5;
	v1 =	vadd.f32 v59, v1  }
0x1b1: {  	v60 =	vand.u32 $0x400, v29;
	v3 =	vadd.f32 v58, v3;
	v0 =	vadd.f32 v4, v0  }
0x1b2: {  	vm14 =	veq.s32 v60, $0x0  }
0x1b3: {  	v61 =	vxor.u32 $0x8, v25;
	v2 =	vsel vm14, v2, v3;
	v0 =	vsel vm14, v1, v0  }
0x1b4: {  	v62 =	vld [tilespmem:$0x3880];
	v3 =	vperm.xlane v2, v61;
	v1 =	vperm.xlane v0, v61;
	_ =	sdelay $0x1  }
0x1b5: {  	v63 =	vand.u32 $0x800, v29;
	v2 =	vadd.f32 v3, v2;
	v0 =	vadd.f32 v1, v0  }
0x1b6: {  	vm15 =	veq.s32 v63, $0x0  }
0x1b7: {  	v0 =	vsel vm15, v2, v0  }
0x1b8: {  	v0 =	vadd.f32 v0, v62;
	_ =	sdelay $0x1  }
0x1b9: {  	s30 =	simm.s32 $0x3900;
	s31 =	simm.s32 $0x2;
	s3 =	sadd.s32 s3, s25;
	[tilespmem:$0x3900] =	vst v0  }
0x1ba: {  	[hbm4b:s3+s2] =	stream.linear.scatter [tilespmem:s30], [sflag:$0x2], $0x10, $0x38;
	[tilespmem:$0x3980] =	vst v63  }
0x1bb: {  	_ =	swait.ge [sflag:s31], $0x10  }
0x1bc: {  	[sflag:s31] =	ssyncset.done $0x0  }
0x1bd: {  	[sflag:s31] =	ssyncadd.s32 $0xFFFFFFF0  }
.LBB2_2:
0x1be: {  	_ =	sfence.sel $0x180000  }
0x1bf: {  	[bflag:$0x0] =	sbarrier.arrive $0xFFFF  }
0x1c0: {  	p0 =	sne.s32 s1, $0x0;
	_ =	strace $0x90000047  }
0x1c1: {  	s0 =	sadd.s32 @!p0 $0x100000, s0;
	[bflag:$0x2] =	sbarrier.arrive $0xFFFF  }
0x1c2: {  	[sflag:s0] =	ssyncadd.tile.s32 @!p0 $0x1;
	_ =	shalt  }
.Lfunc_end2:
_tile_overlayer_lowered:
.L_overlay_start_2:
0x1c3: {  	(tag) =	ssettag $0x2  }
0x1c4: {  	s0 =	rddreg [dreg:$0x0];
	s2 =	stileid.u32  }
0x1c5: {  	s1 =	rddreg [dreg:$0x1];
	p0 =	sne.s32 s2, $0x0  }
0x1c6: {  	s3 =	rddreg [dreg:$0x2];
	[bflag:$0x3] =	sbarrier.arrive $0xFFFF;
	s2 =	simm.s32 @!p0 $0x1C02  }
0x1c7: {  	[timem:s3], [sflag:s2] =	dma.local @!p0 [hbm:s0], s1  }
0x1c8: {  	s0 =	simm.s32 @!p0 $0x2  }
0x1c9: {  	_ =	swait.ge @!p0 [sflag:s0], s1  }
0x1ca: {  	s1 =	ssub.s32 @!p0 $0x0, s1;
	[sflag:s0] =	ssyncset.done @!p0 $0x0  }
0x1cb: {  	[sflag:s0] =	ssyncadd.s32 @!p0 s1  }
0x1cc: {  	[bflag:$0x3] =	sbarrier.arrive $0xFFFF  }
0x1cd: {  	_ =	shalt  }

</sc_bundles>
